<compile_context>
chip_gen: v7x
topology: tpu7x:2x2x1
jax: 0.10.2.dev20260603
libtpu: 0.0.44.dev20260713+nightly
codegen_flags: <defaults>
</compile_context>

<pallas_src>
import functools

import jax
import jax.numpy as jnp
from jax import lax
from jax.experimental import pallas as pl
from jax.experimental.pallas import tpu as pltpu
from jax.experimental.pallas import tpu_sc as plsc

NC = 2
NS = 16
L = 16
NW = NC * NS
K = 8
U = 5


@functools.lru_cache(maxsize=None)
def _build(B, H, V, E):
  RPT = B // NW
  NG = RPT
  assert NG % K == 0 and H % U == 0 and H <= 128
  mesh = plsc.VectorSubcoreMesh(core_axis_name="c", subcore_axis_name="s")

  @functools.partial(
      pl.kernel,
      mesh=mesh,
      compiler_params=pltpu.CompilerParams(use_tc_tiling_on_sc=False),
      out_type=jax.ShapeDtypeStruct((B, E), jnp.float32),
      scratch_types=[
          pltpu.VMEM((RPT, H), jnp.int32),
          pltpu.VMEM((RPT, E), jnp.float32),
          pltpu.VMEM((RPT + L,), jnp.float32),
      ] + [pltpu.VMEM((H, E), jnp.float32) for _ in range(K)]
        + [pltpu.SemaphoreType.DMA for _ in range(K)],
  )
  def body(k_hbm, len_hbm, table_hbm, out_hbm, idx_v, out_v, len_v, *ring):
    rows = ring[:K]
    sems = ring[K:]
    wid = lax.axis_index("s") * NC + lax.axis_index("c")
    pltpu.sync_copy(k_hbm.at[pl.ds(wid * RPT, RPT)], idx_v)
    pltpu.sync_copy(len_hbm.at[pl.ds(wid * RPT, RPT)],
                    len_v.at[pl.ds(0, RPT)])

    for j in range(K):
      pltpu.async_copy(table_hbm.at[idx_v.at[j]], rows[j], sems[j])

    def outer(it, carry):
      g0 = it * K
      for b in range(K):
        i = g0 + b
        pltpu.make_async_copy(
            table_hbm.at[idx_v.at[i]], rows[b], sems[b]).wait()
        ln = len_v[pl.ds(i, L)][0]

        def acc_step(t, accs, _rows=rows[b]):
          for u in range(U):
            j = t * U + u
            accs = tuple(
                accs[g] + _rows[j, pl.ds(g * L, L)] for g in range(E // L))
          return accs

        accs = lax.fori_loop(
            0, H // U, acc_step,
            tuple(jnp.zeros((L,), jnp.float32) for _ in range(E // L)))
        for g in range(E // L):
          out_v[i, pl.ds(g * L, L)] = accs[g] / ln
        nxt = i + K

        @pl.when(nxt < NG)
        def _(b=b, nxt=nxt):
          pltpu.async_copy(table_hbm.at[idx_v.at[nxt]], rows[b], sems[b])
      return carry

    lax.fori_loop(0, NG // K, outer, 0)
    pltpu.sync_copy(out_v, out_hbm.at[pl.ds(wid * RPT, RPT)])

  return body


def kernel(k, lengths, table):
  B, H = k.shape
  V, E = table.shape
  return _build(B, H, V, E)(k, lengths, table)

# --- scband reference (transcript-rebuilt; emitter-appended) ---
"""Pipeline reference for scband-keyword-encoder-61314953117881 (READ-ONLY COPY).

The authoritative reference and input builder live on the scoring server;
editing this copy changes nothing except your own understanding.
"""

import jax, jax.numpy as jnp
import numpy as np

VOCAB = 1000000
EMB = 64
BATCH = 16384
HIST = 50

def setup_inputs(seed: int = 0) -> dict:
    key = jax.random.key(seed)
    k1, k2, k3 = jax.random.split(key, 3)
    k = jax.random.randint(k1, (BATCH, HIST), 0, VOCAB, dtype=jnp.int64 if jax.config.jax_enable_x64 else jnp.int32).astype(jnp.int32)
    # lengths: positive float counts in [1, 50) to avoid div-by-zero
    lengths = jax.random.uniform(k2, (BATCH,), minval=1.0, maxval=float(HIST), dtype=jnp.float32)
    table = jax.random.normal(k3, (VOCAB, EMB), dtype=jnp.float32)
    table = table.at[0].set(0.0)  # padding_idx=0
    return {"k": k, "lengths": lengths, "table": table}

def reference(k, lengths, table):
    # e = self.emb(k)
    e = jnp.take(table, k, axis=0)  # [B, L, E] gather
    # mask = (k != 0).unsqueeze(-1)
    mask = (k != 0)[..., None].astype(e.dtype)
    # (e * mask).sum(1) / lengths.unsqueeze(1)
    return (e * mask).sum(axis=1) / lengths[:, None]

if __name__ == "__main__":
    import jax
    _d = setup_inputs()
    print(jax.jit(kernel)(*tuple(_d.values())))

</pallas_src>

<mosaic_0001>
#map = affine_map<(d0, d1) -> (0, 0)>
#map1 = affine_map<(d0, d1) -> (0)>
module attributes {stable_mosaic.version = 14 : i64} {
  func.func @body(%arg0: i32, %arg1: i32, %arg2: memref<16384x50xi32, #tpu.memory_space<hbm>>, %arg3: memref<16384xf32, #tpu.memory_space<hbm>>, %arg4: memref<1000000x64xf32, #tpu.memory_space<hbm>>, %arg5: memref<16384x64xf32, #tpu.memory_space<hbm>>, %arg6: memref<512x50xi32, #tpu.memory_space<vmem>>, %arg7: memref<512x64xf32, #tpu.memory_space<vmem>>, %arg8: memref<528xf32, #tpu.memory_space<vmem>>, %arg9: memref<50x64xf32, #tpu.memory_space<vmem>>, %arg10: memref<50x64xf32, #tpu.memory_space<vmem>>, %arg11: memref<50x64xf32, #tpu.memory_space<vmem>>, %arg12: memref<50x64xf32, #tpu.memory_space<vmem>>, %arg13: memref<50x64xf32, #tpu.memory_space<vmem>>, %arg14: memref<50x64xf32, #tpu.memory_space<vmem>>, %arg15: memref<50x64xf32, #tpu.memory_space<vmem>>, %arg16: memref<50x64xf32, #tpu.memory_space<vmem>>, %arg17: memref<!tpu.dma_semaphore, #tpu.memory_space<semaphore_mem>>, %arg18: memref<!tpu.dma_semaphore, #tpu.memory_space<semaphore_mem>>, %arg19: memref<!tpu.dma_semaphore, #tpu.memory_space<semaphore_mem>>, %arg20: memref<!tpu.dma_semaphore, #tpu.memory_space<semaphore_mem>>, %arg21: memref<!tpu.dma_semaphore, #tpu.memory_space<semaphore_mem>>, %arg22: memref<!tpu.dma_semaphore, #tpu.memory_space<semaphore_mem>>, %arg23: memref<!tpu.dma_semaphore, #tpu.memory_space<semaphore_mem>>, %arg24: memref<!tpu.dma_semaphore, #tpu.memory_space<semaphore_mem>>) attributes {dimension_semantics = [#tpu.dimension_semantics<core_parallel>, #tpu.dimension_semantics<subcore_parallel>], iteration_bounds = array<i64: 2, 16>, scalar_prefetch = 0 : i64, scratch_operands = 19 : i64, tpu.core_type = #tpu.core_type<sc_vector_subcore>, window_params = [{transform_indices = #map}, {transform_indices = #map1}, {transform_indices = #map}, {transform_indices = #map}]} {
    %mul3A = arith.constant 2 : i32
    %mul3A_0 = arith.muli %arg1, %mul3A : i32
    %add3A = arith.addi %mul3A_0, %arg0 : i32
    %mul3A_1 = arith.constant 512 : i32
    %mul3A_2 = arith.muli %add3A, %mul3A_1 : i32
    "tpu.region"() ({
      %run_scoped3A = tpu.sem_alloc : memref<!tpu.dma_semaphore, #tpu.memory_space<semaphore_mem>>
      %dma_start3A_67 = arith.constant 0 : i32
      %dma_start3A_68 = tpu.memref_slice %arg2[%mul3A_2, %dma_start3A_67] : memref<16384x50xi32, #tpu.memory_space<hbm>> -> memref<512x50xi32, #tpu.memory_space<hbm>>
      %dma_start3A_69 = arith.constant 0 : i32
      %dma_start3A_70 = tpu.memref_slice %arg2[%mul3A_2, %dma_start3A_69] : memref<16384x50xi32, #tpu.memory_space<hbm>> -> memref<512x50xi32, #tpu.memory_space<hbm>>
      tpu.enqueue_dma source(%dma_start3A_70 : memref<512x50xi32, #tpu.memory_space<hbm>>) target(%arg6 : memref<512x50xi32, #tpu.memory_space<vmem>>) target_semaphore(%run_scoped3A : memref<!tpu.dma_semaphore, #tpu.memory_space<semaphore_mem>>)
      %dma_wait3A = arith.constant 0 : i32
      %dma_wait3A_71 = tpu.memref_slice %arg2[%mul3A_2, %dma_wait3A] : memref<16384x50xi32, #tpu.memory_space<hbm>> -> memref<512x50xi32, #tpu.memory_space<hbm>>
      %dma_wait3A_72 = arith.constant 0 : i32
      %dma_wait3A_73 = tpu.memref_slice %arg2[%mul3A_2, %dma_wait3A_72] : memref<16384x50xi32, #tpu.memory_space<hbm>> -> memref<512x50xi32, #tpu.memory_space<hbm>>
      tpu.wait_dma2 semaphore(%run_scoped3A : memref<!tpu.dma_semaphore, #tpu.memory_space<semaphore_mem>>) src(%dma_wait3A_73 : memref<512x50xi32, #tpu.memory_space<hbm>>) dst(%arg6 : memref<512x50xi32, #tpu.memory_space<vmem>>)
      tpu.yield
    }) : () -> ()
    %mul3A_3 = arith.constant 512 : i32
    %mul3A_4 = arith.muli %add3A, %mul3A_3 : i32
    "tpu.region"() ({
      %run_scoped3A = tpu.sem_alloc : memref<!tpu.dma_semaphore, #tpu.memory_space<semaphore_mem>>
      %dma_start3A_67 = arith.constant 0 : i32
      %dma_start3A_68 = tpu.memref_slice %arg8[%dma_start3A_67] : memref<528xf32, #tpu.memory_space<vmem>> -> memref<512xf32, #tpu.memory_space<vmem>>
      %dma_start3A_69 = tpu.memref_slice %arg3[%mul3A_4] : memref<16384xf32, #tpu.memory_space<hbm>> -> memref<512xf32, #tpu.memory_space<hbm>>
      %dma_start3A_70 = arith.constant 0 : i32
      %dma_start3A_71 = tpu.memref_slice %arg8[%dma_start3A_70] : memref<528xf32, #tpu.memory_space<vmem>> -> memref<512xf32, #tpu.memory_space<vmem>>
      %dma_start3A_72 = tpu.memref_slice %arg3[%mul3A_4] : memref<16384xf32, #tpu.memory_space<hbm>> -> memref<512xf32, #tpu.memory_space<hbm>>
      tpu.enqueue_dma source(%dma_start3A_72 : memref<512xf32, #tpu.memory_space<hbm>>) target(%dma_start3A_71 : memref<512xf32, #tpu.memory_space<vmem>>) target_semaphore(%run_scoped3A : memref<!tpu.dma_semaphore, #tpu.memory_space<semaphore_mem>>)
      %dma_wait3A = arith.constant 0 : i32
      %dma_wait3A_73 = tpu.memref_slice %arg8[%dma_wait3A] : memref<528xf32, #tpu.memory_space<vmem>> -> memref<512xf32, #tpu.memory_space<vmem>>
      %dma_wait3A_74 = tpu.memref_slice %arg3[%mul3A_4] : memref<16384xf32, #tpu.memory_space<hbm>> -> memref<512xf32, #tpu.memory_space<hbm>>
      %dma_wait3A_75 = arith.constant 0 : i32
      %dma_wait3A_76 = tpu.memref_slice %arg8[%dma_wait3A_75] : memref<528xf32, #tpu.memory_space<vmem>> -> memref<512xf32, #tpu.memory_space<vmem>>
      %dma_wait3A_77 = tpu.memref_slice %arg3[%mul3A_4] : memref<16384xf32, #tpu.memory_space<hbm>> -> memref<512xf32, #tpu.memory_space<hbm>>
      tpu.wait_dma2 semaphore(%run_scoped3A : memref<!tpu.dma_semaphore, #tpu.memory_space<semaphore_mem>>) src(%dma_wait3A_77 : memref<512xf32, #tpu.memory_space<hbm>>) dst(%dma_wait3A_76 : memref<512xf32, #tpu.memory_space<vmem>>)
      tpu.yield
    }) : () -> ()
    %dma_start3A = arith.constant 0 : i32
    %dma_start3A_5 = arith.constant 0 : i32
    %dma_start3A_6 = tpu.memref_slice %arg6[%dma_start3A, %dma_start3A_5] : memref<512x50xi32, #tpu.memory_space<vmem>> -> memref<1x50xi32, #tpu.memory_space<vmem>>
    %dma_start3A_7 = tpu.memref_squeeze %dma_start3A_6 : memref<1x50xi32, #tpu.memory_space<vmem>> -> memref<50xi32, #tpu.memory_space<vmem>>
    %dma_start3A_8 = arith.constant 0 : i32
    %dma_start3A_9 = arith.constant 0 : i32
    %dma_start3A_10 = tpu.memref_slice %arg4[%dma_start3A_8, %dma_start3A_9] : memref<1000000x64xf32, #tpu.memory_space<hbm>> -> memref<1000000x64xf32, #tpu.memory_space<hbm>>
    tpu.enqueue_indirect_dma source(%dma_start3A_10 : memref<1000000x64xf32, #tpu.memory_space<hbm>>) target(%arg9 : memref<50x64xf32, #tpu.memory_space<vmem>>) offsets(%dma_start3A_7 : memref<50xi32, #tpu.memory_space<vmem>>) semaphore(%arg17 : memref<!tpu.dma_semaphore, #tpu.memory_space<semaphore_mem>>)
    %dma_start3A_11 = arith.constant 1 : i32
    %dma_start3A_12 = arith.constant 0 : i32
    %dma_start3A_13 = tpu.memref_slice %arg6[%dma_start3A_11, %dma_start3A_12] : memref<512x50xi32, #tpu.memory_space<vmem>> -> memref<1x50xi32, #tpu.memory_space<vmem>>
    %dma_start3A_14 = tpu.memref_squeeze %dma_start3A_13 : memref<1x50xi32, #tpu.memory_space<vmem>> -> memref<50xi32, #tpu.memory_space<vmem>>
    %dma_start3A_15 = arith.constant 0 : i32
    %dma_start3A_16 = arith.constant 0 : i32
    %dma_start3A_17 = tpu.memref_slice %arg4[%dma_start3A_15, %dma_start3A_16] : memref<1000000x64xf32, #tpu.memory_space<hbm>> -> memref<1000000x64xf32, #tpu.memory_space<hbm>>
    tpu.enqueue_indirect_dma source(%dma_start3A_17 : memref<1000000x64xf32, #tpu.memory_space<hbm>>) target(%arg10 : memref<50x64xf32, #tpu.memory_space<vmem>>) offsets(%dma_start3A_14 : memref<50xi32, #tpu.memory_space<vmem>>) semaphore(%arg18 : memref<!tpu.dma_semaphore, #tpu.memory_space<semaphore_mem>>)
    %dma_start3A_18 = arith.constant 2 : i32
    %dma_start3A_19 = arith.constant 0 : i32
    %dma_start3A_20 = tpu.memref_slice %arg6[%dma_start3A_18, %dma_start3A_19] : memref<512x50xi32, #tpu.memory_space<vmem>> -> memref<1x50xi32, #tpu.memory_space<vmem>>
    %dma_start3A_21 = tpu.memref_squeeze %dma_start3A_20 : memref<1x50xi32, #tpu.memory_space<vmem>> -> memref<50xi32, #tpu.memory_space<vmem>>
    %dma_start3A_22 = arith.constant 0 : i32
    %dma_start3A_23 = arith.constant 0 : i32
    %dma_start3A_24 = tpu.memref_slice %arg4[%dma_start3A_22, %dma_start3A_23] : memref<1000000x64xf32, #tpu.memory_space<hbm>> -> memref<1000000x64xf32, #tpu.memory_space<hbm>>
    tpu.enqueue_indirect_dma source(%dma_start3A_24 : memref<1000000x64xf32, #tpu.memory_space<hbm>>) target(%arg11 : memref<50x64xf32, #tpu.memory_space<vmem>>) offsets(%dma_start3A_21 : memref<50xi32, #tpu.memory_space<vmem>>) semaphore(%arg19 : memref<!tpu.dma_semaphore, #tpu.memory_space<semaphore_mem>>)
    %dma_start3A_25 = arith.constant 3 : i32
    %dma_start3A_26 = arith.constant 0 : i32
    %dma_start3A_27 = tpu.memref_slice %arg6[%dma_start3A_25, %dma_start3A_26] : memref<512x50xi32, #tpu.memory_space<vmem>> -> memref<1x50xi32, #tpu.memory_space<vmem>>
    %dma_start3A_28 = tpu.memref_squeeze %dma_start3A_27 : memref<1x50xi32, #tpu.memory_space<vmem>> -> memref<50xi32, #tpu.memory_space<vmem>>
    %dma_start3A_29 = arith.constant 0 : i32
    %dma_start3A_30 = arith.constant 0 : i32
    %dma_start3A_31 = tpu.memref_slice %arg4[%dma_start3A_29, %dma_start3A_30] : memref<1000000x64xf32, #tpu.memory_space<hbm>> -> memref<1000000x64xf32, #tpu.memory_space<hbm>>
    tpu.enqueue_indirect_dma source(%dma_start3A_31 : memref<1000000x64xf32, #tpu.memory_space<hbm>>) target(%arg12 : memref<50x64xf32, #tpu.memory_space<vmem>>) offsets(%dma_start3A_28 : memref<50xi32, #tpu.memory_space<vmem>>) semaphore(%arg20 : memref<!tpu.dma_semaphore, #tpu.memory_space<semaphore_mem>>)
    %dma_start3A_32 = arith.constant 4 : i32
    %dma_start3A_33 = arith.constant 0 : i32
    %dma_start3A_34 = tpu.memref_slice %arg6[%dma_start3A_32, %dma_start3A_33] : memref<512x50xi32, #tpu.memory_space<vmem>> -> memref<1x50xi32, #tpu.memory_space<vmem>>
    %dma_start3A_35 = tpu.memref_squeeze %dma_start3A_34 : memref<1x50xi32, #tpu.memory_space<vmem>> -> memref<50xi32, #tpu.memory_space<vmem>>
    %dma_start3A_36 = arith.constant 0 : i32
    %dma_start3A_37 = arith.constant 0 : i32
    %dma_start3A_38 = tpu.memref_slice %arg4[%dma_start3A_36, %dma_start3A_37] : memref<1000000x64xf32, #tpu.memory_space<hbm>> -> memref<1000000x64xf32, #tpu.memory_space<hbm>>
    tpu.enqueue_indirect_dma source(%dma_start3A_38 : memref<1000000x64xf32, #tpu.memory_space<hbm>>) target(%arg13 : memref<50x64xf32, #tpu.memory_space<vmem>>) offsets(%dma_start3A_35 : memref<50xi32, #tpu.memory_space<vmem>>) semaphore(%arg21 : memref<!tpu.dma_semaphore, #tpu.memory_space<semaphore_mem>>)
    %dma_start3A_39 = arith.constant 5 : i32
    %dma_start3A_40 = arith.constant 0 : i32
    %dma_start3A_41 = tpu.memref_slice %arg6[%dma_start3A_39, %dma_start3A_40] : memref<512x50xi32, #tpu.memory_space<vmem>> -> memref<1x50xi32, #tpu.memory_space<vmem>>
    %dma_start3A_42 = tpu.memref_squeeze %dma_start3A_41 : memref<1x50xi32, #tpu.memory_space<vmem>> -> memref<50xi32, #tpu.memory_space<vmem>>
    %dma_start3A_43 = arith.constant 0 : i32
    %dma_start3A_44 = arith.constant 0 : i32
    %dma_start3A_45 = tpu.memref_slice %arg4[%dma_start3A_43, %dma_start3A_44] : memref<1000000x64xf32, #tpu.memory_space<hbm>> -> memref<1000000x64xf32, #tpu.memory_space<hbm>>
    tpu.enqueue_indirect_dma source(%dma_start3A_45 : memref<1000000x64xf32, #tpu.memory_space<hbm>>) target(%arg14 : memref<50x64xf32, #tpu.memory_space<vmem>>) offsets(%dma_start3A_42 : memref<50xi32, #tpu.memory_space<vmem>>) semaphore(%arg22 : memref<!tpu.dma_semaphore, #tpu.memory_space<semaphore_mem>>)
    %dma_start3A_46 = arith.constant 6 : i32
    %dma_start3A_47 = arith.constant 0 : i32
    %dma_start3A_48 = tpu.memref_slice %arg6[%dma_start3A_46, %dma_start3A_47] : memref<512x50xi32, #tpu.memory_space<vmem>> -> memref<1x50xi32, #tpu.memory_space<vmem>>
    %dma_start3A_49 = tpu.memref_squeeze %dma_start3A_48 : memref<1x50xi32, #tpu.memory_space<vmem>> -> memref<50xi32, #tpu.memory_space<vmem>>
    %dma_start3A_50 = arith.constant 0 : i32
    %dma_start3A_51 = arith.constant 0 : i32
    %dma_start3A_52 = tpu.memref_slice %arg4[%dma_start3A_50, %dma_start3A_51] : memref<1000000x64xf32, #tpu.memory_space<hbm>> -> memref<1000000x64xf32, #tpu.memory_space<hbm>>
    tpu.enqueue_indirect_dma source(%dma_start3A_52 : memref<1000000x64xf32, #tpu.memory_space<hbm>>) target(%arg15 : memref<50x64xf32, #tpu.memory_space<vmem>>) offsets(%dma_start3A_49 : memref<50xi32, #tpu.memory_space<vmem>>) semaphore(%arg23 : memref<!tpu.dma_semaphore, #tpu.memory_space<semaphore_mem>>)
    %dma_start3A_53 = arith.constant 7 : i32
    %dma_start3A_54 = arith.constant 0 : i32
    %dma_start3A_55 = tpu.memref_slice %arg6[%dma_start3A_53, %dma_start3A_54] : memref<512x50xi32, #tpu.memory_space<vmem>> -> memref<1x50xi32, #tpu.memory_space<vmem>>
    %dma_start3A_56 = tpu.memref_squeeze %dma_start3A_55 : memref<1x50xi32, #tpu.memory_space<vmem>> -> memref<50xi32, #tpu.memory_space<vmem>>
    %dma_start3A_57 = arith.constant 0 : i32
    %dma_start3A_58 = arith.constant 0 : i32
    %dma_start3A_59 = tpu.memref_slice %arg4[%dma_start3A_57, %dma_start3A_58] : memref<1000000x64xf32, #tpu.memory_space<hbm>> -> memref<1000000x64xf32, #tpu.memory_space<hbm>>
    tpu.enqueue_indirect_dma source(%dma_start3A_59 : memref<1000000x64xf32, #tpu.memory_space<hbm>>) target(%arg16 : memref<50x64xf32, #tpu.memory_space<vmem>>) offsets(%dma_start3A_56 : memref<50xi32, #tpu.memory_space<vmem>>) semaphore(%arg24 : memref<!tpu.dma_semaphore, #tpu.memory_space<semaphore_mem>>)
    %scan3A = arith.constant 0 : i32
    %scan3A_60 = arith.constant 0 : i32
    %scan3A_61 = arith.constant 64 : i32
    %scan3A_62 = arith.addi %scan3A_60, %scan3A_61 : i32
    %scan3A_63 = arith.constant 1 : i32
    scf.for %scan3A_67 = %scan3A_60 to %scan3A_62 step %scan3A_63  : i32 {
      %mul3A_68 = arith.constant 8 : i32
      %mul3A_69 = arith.muli %scan3A_67, %mul3A_68 : i32
      %add3A_70 = arith.constant 0 : i32
      %add3A_71 = arith.addi %mul3A_69, %add3A_70 : i32
      %dma_wait3A = arith.constant 0 : i32
      %dma_wait3A_72 = tpu.memref_slice %arg6[%add3A_71, %dma_wait3A] : memref<512x50xi32, #tpu.memory_space<vmem>> -> memref<1x50xi32, #tpu.memory_space<vmem>>
      %dma_wait3A_73 = tpu.memref_squeeze %dma_wait3A_72 : memref<1x50xi32, #tpu.memory_space<vmem>> -> memref<50xi32, #tpu.memory_space<vmem>>
      %dma_wait3A_74 = arith.constant 0 : i32
      %dma_wait3A_75 = arith.constant 0 : i32
      %dma_wait3A_76 = tpu.memref_slice %arg4[%dma_wait3A_74, %dma_wait3A_75] : memref<1000000x64xf32, #tpu.memory_space<hbm>> -> memref<1000000x64xf32, #tpu.memory_space<hbm>>
      tpu.wait_indirect_dma semaphore(%arg17 : memref<!tpu.dma_semaphore, #tpu.memory_space<semaphore_mem>>) src(%dma_wait3A_76 : memref<1000000x64xf32, #tpu.memory_space<hbm>>) dst(%arg9 : memref<50x64xf32, #tpu.memory_space<vmem>>)
      %get3A = arith.index_cast %add3A_71 : i32 to index
      %get3A_77 = tpu.vector_load %arg8[%get3A] {strides = array<i32>} : memref<528xf32, #tpu.memory_space<vmem>>, vector<16xf32>,
      %get3A_78 = vector.shape_cast %get3A_77 : vector<16xf32> to vector<16xf32>
      %slice3A = vector.extract_strided_slice %get3A_78 {offsets = [0], sizes = [1], strides = [1]} : vector<16xf32> to vector<1xf32>
      %squeeze3A = vector.extract %slice3A[0] : f32 from vector<1xf32>
      %broadcast_in_dim3A = arith.constant 0.000000e+00 : f32
      %broadcast_in_dim3A_79 = vector.broadcast %broadcast_in_dim3A : f32 to vector<16xf32>
      %broadcast_in_dim3A_80 = arith.constant 0.000000e+00 : f32
      %broadcast_in_dim3A_81 = vector.broadcast %broadcast_in_dim3A_80 : f32 to vector<16xf32>
      %broadcast_in_dim3A_82 = arith.constant 0.000000e+00 : f32
      %broadcast_in_dim3A_83 = vector.broadcast %broadcast_in_dim3A_82 : f32 to vector<16xf32>
      %broadcast_in_dim3A_84 = arith.constant 0.000000e+00 : f32
      %broadcast_in_dim3A_85 = vector.broadcast %broadcast_in_dim3A_84 : f32 to vector<16xf32>
      %scan3A_86 = arith.constant 0 : i32
      %scan3A_87 = arith.constant 10 : i32
      %scan3A_88 = arith.addi %scan3A_86, %scan3A_87 : i32
      %scan3A_89 = arith.constant 1 : i32
      %scan3A_90:4 = scf.for %scan3A_556 = %scan3A_86 to %scan3A_88 step %scan3A_89 iter_args(%scan3A_557 = %broadcast_in_dim3A_79, %scan3A_558 = %broadcast_in_dim3A_81, %scan3A_559 = %broadcast_in_dim3A_83, %scan3A_560 = %broadcast_in_dim3A_85) -> (vector<16xf32>, vector<16xf32>, vector<16xf32>, vector<16xf32>)  : i32 {
        %mul3A_561 = arith.constant 5 : i32
        %mul3A_562 = arith.muli %scan3A_556, %mul3A_561 : i32
        %add3A_563 = arith.constant 0 : i32
        %add3A_564 = arith.addi %mul3A_562, %add3A_563 : i32
        %get3A_565 = arith.index_cast %add3A_564 : i32 to index
        %get3A_566 = arith.constant 0 : index
        %get3A_567 = tpu.vector_load %arg9[%get3A_565, %get3A_566] {strides = array<i32>} : memref<50x64xf32, #tpu.memory_space<vmem>>, vector<1x16xf32>,
        %get3A_568 = vector.shape_cast %get3A_567 : vector<1x16xf32> to vector<16xf32>
        %add3A_569 = arith.addf %scan3A_557, %get3A_568 : vector<16xf32>
        %get3A_570 = arith.index_cast %add3A_564 : i32 to index
        %get3A_571 = arith.constant 16 : index
        %get3A_572 = tpu.vector_load %arg9[%get3A_570, %get3A_571] {strides = array<i32>} : memref<50x64xf32, #tpu.memory_space<vmem>>, vector<1x16xf32>,
        %get3A_573 = vector.shape_cast %get3A_572 : vector<1x16xf32> to vector<16xf32>
        %add3A_574 = arith.addf %scan3A_558, %get3A_573 : vector<16xf32>
        %get3A_575 = arith.index_cast %add3A_564 : i32 to index
        %get3A_576 = arith.constant 32 : index
        %get3A_577 = tpu.vector_load %arg9[%get3A_575, %get3A_576] {strides = array<i32>} : memref<50x64xf32, #tpu.memory_space<vmem>>, vector<1x16xf32>,
        %get3A_578 = vector.shape_cast %get3A_577 : vector<1x16xf32> to vector<16xf32>
        %add3A_579 = arith.addf %scan3A_559, %get3A_578 : vector<16xf32>
        %get3A_580 = arith.index_cast %add3A_564 : i32 to index
        %get3A_581 = arith.constant 48 : index
        %get3A_582 = tpu.vector_load %arg9[%get3A_580, %get3A_581] {strides = array<i32>} : memref<50x64xf32, #tpu.memory_space<vmem>>, vector<1x16xf32>,
        %get3A_583 = vector.shape_cast %get3A_582 : vector<1x16xf32> to vector<16xf32>
        %add3A_584 = arith.addf %scan3A_560, %get3A_583 : vector<16xf32>
        %mul3A_585 = arith.constant 5 : i32
        %mul3A_586 = arith.muli %scan3A_556, %mul3A_585 : i32
        %add3A_587 = arith.constant 1 : i32
        %add3A_588 = arith.addi %mul3A_586, %add3A_587 : i32
        %get3A_589 = arith.index_cast %add3A_588 : i32 to index
        %get3A_590 = arith.constant 0 : index
        %get3A_591 = tpu.vector_load %arg9[%get3A_589, %get3A_590] {strides = array<i32>} : memref<50x64xf32, #tpu.memory_space<vmem>>, vector<1x16xf32>,
        %get3A_592 = vector.shape_cast %get3A_591 : vector<1x16xf32> to vector<16xf32>
        %add3A_593 = arith.addf %add3A_569, %get3A_592 : vector<16xf32>
        %get3A_594 = arith.index_cast %add3A_588 : i32 to index
        %get3A_595 = arith.constant 16 : index
        %get3A_596 = tpu.vector_load %arg9[%get3A_594, %get3A_595] {strides = array<i32>} : memref<50x64xf32, #tpu.memory_space<vmem>>, vector<1x16xf32>,
        %get3A_597 = vector.shape_cast %get3A_596 : vector<1x16xf32> to vector<16xf32>
        %add3A_598 = arith.addf %add3A_574, %get3A_597 : vector<16xf32>
        %get3A_599 = arith.index_cast %add3A_588 : i32 to index
        %get3A_600 = arith.constant 32 : index
        %get3A_601 = tpu.vector_load %arg9[%get3A_599, %get3A_600] {strides = array<i32>} : memref<50x64xf32, #tpu.memory_space<vmem>>, vector<1x16xf32>,
        %get3A_602 = vector.shape_cast %get3A_601 : vector<1x16xf32> to vector<16xf32>
        %add3A_603 = arith.addf %add3A_579, %get3A_602 : vector<16xf32>
        %get3A_604 = arith.index_cast %add3A_588 : i32 to index
        %get3A_605 = arith.constant 48 : index
        %get3A_606 = tpu.vector_load %arg9[%get3A_604, %get3A_605] {strides = array<i32>} : memref<50x64xf32, #tpu.memory_space<vmem>>, vector<1x16xf32>,
        %get3A_607 = vector.shape_cast %get3A_606 : vector<1x16xf32> to vector<16xf32>
        %add3A_608 = arith.addf %add3A_584, %get3A_607 : vector<16xf32>
        %mul3A_609 = arith.constant 5 : i32
        %mul3A_610 = arith.muli %scan3A_556, %mul3A_609 : i32
        %add3A_611 = arith.constant 2 : i32
        %add3A_612 = arith.addi %mul3A_610, %add3A_611 : i32
        %get3A_613 = arith.index_cast %add3A_612 : i32 to index
        %get3A_614 = arith.constant 0 : index
        %get3A_615 = tpu.vector_load %arg9[%get3A_613, %get3A_614] {strides = array<i32>} : memref<50x64xf32, #tpu.memory_space<vmem>>, vector<1x16xf32>,
        %get3A_616 = vector.shape_cast %get3A_615 : vector<1x16xf32> to vector<16xf32>
        %add3A_617 = arith.addf %add3A_593, %get3A_616 : vector<16xf32>
        %get3A_618 = arith.index_cast %add3A_612 : i32 to index
        %get3A_619 = arith.constant 16 : index
        %get3A_620 = tpu.vector_load %arg9[%get3A_618, %get3A_619] {strides = array<i32>} : memref<50x64xf32, #tpu.memory_space<vmem>>, vector<1x16xf32>,
        %get3A_621 = vector.shape_cast %get3A_620 : vector<1x16xf32> to vector<16xf32>
        %add3A_622 = arith.addf %add3A_598, %get3A_621 : vector<16xf32>
        %get3A_623 = arith.index_cast %add3A_612 : i32 to index
        %get3A_624 = arith.constant 32 : index
        %get3A_625 = tpu.vector_load %arg9[%get3A_623, %get3A_624] {strides = array<i32>} : memref<50x64xf32, #tpu.memory_space<vmem>>, vector<1x16xf32>,
        %get3A_626 = vector.shape_cast %get3A_625 : vector<1x16xf32> to vector<16xf32>
        %add3A_627 = arith.addf %add3A_603, %get3A_626 : vector<16xf32>
        %get3A_628 = arith.index_cast %add3A_612 : i32 to index
        %get3A_629 = arith.constant 48 : index
        %get3A_630 = tpu.vector_load %arg9[%get3A_628, %get3A_629] {strides = array<i32>} : memref<50x64xf32, #tpu.memory_space<vmem>>, vector<1x16xf32>,
        %get3A_631 = vector.shape_cast %get3A_630 : vector<1x16xf32> to vector<16xf32>
        %add3A_632 = arith.addf %add3A_608, %get3A_631 : vector<16xf32>
        %mul3A_633 = arith.constant 5 : i32
        %mul3A_634 = arith.muli %scan3A_556, %mul3A_633 : i32
        %add3A_635 = arith.constant 3 : i32
        %add3A_636 = arith.addi %mul3A_634, %add3A_635 : i32
        %get3A_637 = arith.index_cast %add3A_636 : i32 to index
        %get3A_638 = arith.constant 0 : index
        %get3A_639 = tpu.vector_load %arg9[%get3A_637, %get3A_638] {strides = array<i32>} : memref<50x64xf32, #tpu.memory_space<vmem>>, vector<1x16xf32>,
        %get3A_640 = vector.shape_cast %get3A_639 : vector<1x16xf32> to vector<16xf32>
        %add3A_641 = arith.addf %add3A_617, %get3A_640 : vector<16xf32>
        %get3A_642 = arith.index_cast %add3A_636 : i32 to index
        %get3A_643 = arith.constant 16 : index
        %get3A_644 = tpu.vector_load %arg9[%get3A_642, %get3A_643] {strides = array<i32>} : memref<50x64xf32, #tpu.memory_space<vmem>>, vector<1x16xf32>,
        %get3A_645 = vector.shape_cast %get3A_644 : vector<1x16xf32> to vector<16xf32>
        %add3A_646 = arith.addf %add3A_622, %get3A_645 : vector<16xf32>
        %get3A_647 = arith.index_cast %add3A_636 : i32 to index
        %get3A_648 = arith.constant 32 : index
        %get3A_649 = tpu.vector_load %arg9[%get3A_647, %get3A_648] {strides = array<i32>} : memref<50x64xf32, #tpu.memory_space<vmem>>, vector<1x16xf32>,
        %get3A_650 = vector.shape_cast %get3A_649 : vector<1x16xf32> to vector<16xf32>
        %add3A_651 = arith.addf %add3A_627, %get3A_650 : vector<16xf32>
        %get3A_652 = arith.index_cast %add3A_636 : i32 to index
        %get3A_653 = arith.constant 48 : index
        %get3A_654 = tpu.vector_load %arg9[%get3A_652, %get3A_653] {strides = array<i32>} : memref<50x64xf32, #tpu.memory_space<vmem>>, vector<1x16xf32>,
        %get3A_655 = vector.shape_cast %get3A_654 : vector<1x16xf32> to vector<16xf32>
        %add3A_656 = arith.addf %add3A_632, %get3A_655 : vector<16xf32>
        %mul3A_657 = arith.constant 5 : i32
        %mul3A_658 = arith.muli %scan3A_556, %mul3A_657 : i32
        %add3A_659 = arith.constant 4 : i32
        %add3A_660 = arith.addi %mul3A_658, %add3A_659 : i32
        %get3A_661 = arith.index_cast %add3A_660 : i32 to index
        %get3A_662 = arith.constant 0 : index
        %get3A_663 = tpu.vector_load %arg9[%get3A_661, %get3A_662] {strides = array<i32>} : memref<50x64xf32, #tpu.memory_space<vmem>>, vector<1x16xf32>,
        %get3A_664 = vector.shape_cast %get3A_663 : vector<1x16xf32> to vector<16xf32>
        %add3A_665 = arith.addf %add3A_641, %get3A_664 : vector<16xf32>
        %get3A_666 = arith.index_cast %add3A_660 : i32 to index
        %get3A_667 = arith.constant 16 : index
        %get3A_668 = tpu.vector_load %arg9[%get3A_666, %get3A_667] {strides = array<i32>} : memref<50x64xf32, #tpu.memory_space<vmem>>, vector<1x16xf32>,
        %get3A_669 = vector.shape_cast %get3A_668 : vector<1x16xf32> to vector<16xf32>
        %add3A_670 = arith.addf %add3A_646, %get3A_669 : vector<16xf32>
        %get3A_671 = arith.index_cast %add3A_660 : i32 to index
        %get3A_672 = arith.constant 32 : index
        %get3A_673 = tpu.vector_load %arg9[%get3A_671, %get3A_672] {strides = array<i32>} : memref<50x64xf32, #tpu.memory_space<vmem>>, vector<1x16xf32>,
        %get3A_674 = vector.shape_cast %get3A_673 : vector<1x16xf32> to vector<16xf32>
        %add3A_675 = arith.addf %add3A_651, %get3A_674 : vector<16xf32>
        %get3A_676 = arith.index_cast %add3A_660 : i32 to index
        %get3A_677 = arith.constant 48 : index
        %get3A_678 = tpu.vector_load %arg9[%get3A_676, %get3A_677] {strides = array<i32>} : memref<50x64xf32, #tpu.memory_space<vmem>>, vector<1x16xf32>,
        %get3A_679 = vector.shape_cast %get3A_678 : vector<1x16xf32> to vector<16xf32>
        %add3A_680 = arith.addf %add3A_656, %get3A_679 : vector<16xf32>
        scf.yield %add3A_665, %add3A_670, %add3A_675, %add3A_680 : vector<16xf32>, vector<16xf32>, vector<16xf32>, vector<16xf32>
      }
      %scan3A_91 = arith.constant 10 : i32
      %div3A = vector.broadcast %squeeze3A : f32 to vector<16xf32>
      %div3A_92 = arith.divf %scan3A_90#0, %div3A : vector<16xf32>
      %swap3A = arith.index_cast %add3A_71 : i32 to index
      %swap3A_93 = arith.constant 0 : index
      %swap3A_94 = tpu.vector_load %arg7[%swap3A, %swap3A_93] {strides = array<i32>} : memref<512x64xf32, #tpu.memory_space<vmem>>, vector<1x16xf32>,
      %swap3A_95 = vector.shape_cast %swap3A_94 : vector<1x16xf32> to vector<16xf32>
      %swap3A_96 = vector.shape_cast %div3A_92 : vector<16xf32> to vector<1x16xf32>
      tpu.vector_store %arg7[%swap3A, %swap3A_93], %swap3A_96 {strides = array<i32>} : memref<512x64xf32, #tpu.memory_space<vmem>>, vector<1x16xf32>,
      %div3A_97 = vector.broadcast %squeeze3A : f32 to vector<16xf32>
      %div3A_98 = arith.divf %scan3A_90#1, %div3A_97 : vector<16xf32>
      %swap3A_99 = arith.index_cast %add3A_71 : i32 to index
      %swap3A_100 = arith.constant 16 : index
      %swap3A_101 = tpu.vector_load %arg7[%swap3A_99, %swap3A_100] {strides = array<i32>} : memref<512x64xf32, #tpu.memory_space<vmem>>, vector<1x16xf32>,
      %swap3A_102 = vector.shape_cast %swap3A_101 : vector<1x16xf32> to vector<16xf32>
      %swap3A_103 = vector.shape_cast %div3A_98 : vector<16xf32> to vector<1x16xf32>
      tpu.vector_store %arg7[%swap3A_99, %swap3A_100], %swap3A_103 {strides = array<i32>} : memref<512x64xf32, #tpu.memory_space<vmem>>, vector<1x16xf32>,
      %div3A_104 = vector.broadcast %squeeze3A : f32 to vector<16xf32>
      %div3A_105 = arith.divf %scan3A_90#2, %div3A_104 : vector<16xf32>
      %swap3A_106 = arith.index_cast %add3A_71 : i32 to index
      %swap3A_107 = arith.constant 32 : index
      %swap3A_108 = tpu.vector_load %arg7[%swap3A_106, %swap3A_107] {strides = array<i32>} : memref<512x64xf32, #tpu.memory_space<vmem>>, vector<1x16xf32>,
      %swap3A_109 = vector.shape_cast %swap3A_108 : vector<1x16xf32> to vector<16xf32>
      %swap3A_110 = vector.shape_cast %div3A_105 : vector<16xf32> to vector<1x16xf32>
      tpu.vector_store %arg7[%swap3A_106, %swap3A_107], %swap3A_110 {strides = array<i32>} : memref<512x64xf32, #tpu.memory_space<vmem>>, vector<1x16xf32>,
      %div3A_111 = vector.broadcast %squeeze3A : f32 to vector<16xf32>
      %div3A_112 = arith.divf %scan3A_90#3, %div3A_111 : vector<16xf32>
      %swap3A_113 = arith.index_cast %add3A_71 : i32 to index
      %swap3A_114 = arith.constant 48 : index
      %swap3A_115 = tpu.vector_load %arg7[%swap3A_113, %swap3A_114] {strides = array<i32>} : memref<512x64xf32, #tpu.memory_space<vmem>>, vector<1x16xf32>,
      %swap3A_116 = vector.shape_cast %swap3A_115 : vector<1x16xf32> to vector<16xf32>
      %swap3A_117 = vector.shape_cast %div3A_112 : vector<16xf32> to vector<1x16xf32>
      tpu.vector_store %arg7[%swap3A_113, %swap3A_114], %swap3A_117 {strides = array<i32>} : memref<512x64xf32, #tpu.memory_space<vmem>>, vector<1x16xf32>,
      %add3A_118 = arith.constant 8 : i32
      %add3A_119 = arith.addi %add3A_71, %add3A_118 : i32
      %lt3A = arith.constant 512 : i32
      %lt3A_120 = arith.cmpi slt, %add3A_119, %lt3A : i32
      %convert_element_type3A = arith.extui %lt3A_120 : i1 to i32
      %cond3A = arith.constant 0 : i32
      %cond3A_121 = arith.cmpi ne, %convert_element_type3A, %cond3A : i32
      scf.if %cond3A_121 {
        %dma_start3A_556 = arith.constant 0 : i32
        %dma_start3A_557 = tpu.memref_slice %arg6[%add3A_119, %dma_start3A_556] : memref<512x50xi32, #tpu.memory_space<vmem>> -> memref<1x50xi32, #tpu.memory_space<vmem>>
        %dma_start3A_558 = tpu.memref_squeeze %dma_start3A_557 : memref<1x50xi32, #tpu.memory_space<vmem>> -> memref<50xi32, #tpu.memory_space<vmem>>
        %dma_start3A_559 = arith.constant 0 : i32
        %dma_start3A_560 = arith.constant 0 : i32
        %dma_start3A_561 = tpu.memref_slice %arg4[%dma_start3A_559, %dma_start3A_560] : memref<1000000x64xf32, #tpu.memory_space<hbm>> -> memref<1000000x64xf32, #tpu.memory_space<hbm>>
        tpu.enqueue_indirect_dma source(%dma_start3A_561 : memref<1000000x64xf32, #tpu.memory_space<hbm>>) target(%arg9 : memref<50x64xf32, #tpu.memory_space<vmem>>) offsets(%dma_start3A_558 : memref<50xi32, #tpu.memory_space<vmem>>) semaphore(%arg17 : memref<!tpu.dma_semaphore, #tpu.memory_space<semaphore_mem>>)
      } else {
      }
      %add3A_122 = arith.constant 1 : i32
      %add3A_123 = arith.addi %mul3A_69, %add3A_122 : i32
      %dma_wait3A_124 = arith.constant 0 : i32
      %dma_wait3A_125 = tpu.memref_slice %arg6[%add3A_123, %dma_wait3A_124] : memref<512x50xi32, #tpu.memory_space<vmem>> -> memref<1x50xi32, #tpu.memory_space<vmem>>
      %dma_wait3A_126 = tpu.memref_squeeze %dma_wait3A_125 : memref<1x50xi32, #tpu.memory_space<vmem>> -> memref<50xi32, #tpu.memory_space<vmem>>
      %dma_wait3A_127 = arith.constant 0 : i32
      %dma_wait3A_128 = arith.constant 0 : i32
      %dma_wait3A_129 = tpu.memref_slice %arg4[%dma_wait3A_127, %dma_wait3A_128] : memref<1000000x64xf32, #tpu.memory_space<hbm>> -> memref<1000000x64xf32, #tpu.memory_space<hbm>>
      tpu.wait_indirect_dma semaphore(%arg18 : memref<!tpu.dma_semaphore, #tpu.memory_space<semaphore_mem>>) src(%dma_wait3A_129 : memref<1000000x64xf32, #tpu.memory_space<hbm>>) dst(%arg10 : memref<50x64xf32, #tpu.memory_space<vmem>>)
      %get3A_130 = arith.index_cast %add3A_123 : i32 to index
      %get3A_131 = tpu.vector_load %arg8[%get3A_130] {strides = array<i32>} : memref<528xf32, #tpu.memory_space<vmem>>, vector<16xf32>,
      %get3A_132 = vector.shape_cast %get3A_131 : vector<16xf32> to vector<16xf32>
      %slice3A_133 = vector.extract_strided_slice %get3A_132 {offsets = [0], sizes = [1], strides = [1]} : vector<16xf32> to vector<1xf32>
      %squeeze3A_134 = vector.extract %slice3A_133[0] : f32 from vector<1xf32>
      %broadcast_in_dim3A_135 = arith.constant 0.000000e+00 : f32
      %broadcast_in_dim3A_136 = vector.broadcast %broadcast_in_dim3A_135 : f32 to vector<16xf32>
      %broadcast_in_dim3A_137 = arith.constant 0.000000e+00 : f32
      %broadcast_in_dim3A_138 = vector.broadcast %broadcast_in_dim3A_137 : f32 to vector<16xf32>
      %broadcast_in_dim3A_139 = arith.constant 0.000000e+00 : f32
      %broadcast_in_dim3A_140 = vector.broadcast %broadcast_in_dim3A_139 : f32 to vector<16xf32>
      %broadcast_in_dim3A_141 = arith.constant 0.000000e+00 : f32
      %broadcast_in_dim3A_142 = vector.broadcast %broadcast_in_dim3A_141 : f32 to vector<16xf32>
      %scan3A_143 = arith.constant 0 : i32
      %scan3A_144 = arith.constant 10 : i32
      %scan3A_145 = arith.addi %scan3A_143, %scan3A_144 : i32
      %scan3A_146 = arith.constant 1 : i32
      %scan3A_147:4 = scf.for %scan3A_556 = %scan3A_143 to %scan3A_145 step %scan3A_146 iter_args(%scan3A_557 = %broadcast_in_dim3A_136, %scan3A_558 = %broadcast_in_dim3A_138, %scan3A_559 = %broadcast_in_dim3A_140, %scan3A_560 = %broadcast_in_dim3A_142) -> (vector<16xf32>, vector<16xf32>, vector<16xf32>, vector<16xf32>)  : i32 {
        %mul3A_561 = arith.constant 5 : i32
        %mul3A_562 = arith.muli %scan3A_556, %mul3A_561 : i32
        %add3A_563 = arith.constant 0 : i32
        %add3A_564 = arith.addi %mul3A_562, %add3A_563 : i32
        %get3A_565 = arith.index_cast %add3A_564 : i32 to index
        %get3A_566 = arith.constant 0 : index
        %get3A_567 = tpu.vector_load %arg10[%get3A_565, %get3A_566] {strides = array<i32>} : memref<50x64xf32, #tpu.memory_space<vmem>>, vector<1x16xf32>,
        %get3A_568 = vector.shape_cast %get3A_567 : vector<1x16xf32> to vector<16xf32>
        %add3A_569 = arith.addf %scan3A_557, %get3A_568 : vector<16xf32>
        %get3A_570 = arith.index_cast %add3A_564 : i32 to index
        %get3A_571 = arith.constant 16 : index
        %get3A_572 = tpu.vector_load %arg10[%get3A_570, %get3A_571] {strides = array<i32>} : memref<50x64xf32, #tpu.memory_space<vmem>>, vector<1x16xf32>,
        %get3A_573 = vector.shape_cast %get3A_572 : vector<1x16xf32> to vector<16xf32>
        %add3A_574 = arith.addf %scan3A_558, %get3A_573 : vector<16xf32>
        %get3A_575 = arith.index_cast %add3A_564 : i32 to index
        %get3A_576 = arith.constant 32 : index
        %get3A_577 = tpu.vector_load %arg10[%get3A_575, %get3A_576] {strides = array<i32>} : memref<50x64xf32, #tpu.memory_space<vmem>>, vector<1x16xf32>,
        %get3A_578 = vector.shape_cast %get3A_577 : vector<1x16xf32> to vector<16xf32>
        %add3A_579 = arith.addf %scan3A_559, %get3A_578 : vector<16xf32>
        %get3A_580 = arith.index_cast %add3A_564 : i32 to index
        %get3A_581 = arith.constant 48 : index
        %get3A_582 = tpu.vector_load %arg10[%get3A_580, %get3A_581] {strides = array<i32>} : memref<50x64xf32, #tpu.memory_space<vmem>>, vector<1x16xf32>,
        %get3A_583 = vector.shape_cast %get3A_582 : vector<1x16xf32> to vector<16xf32>
        %add3A_584 = arith.addf %scan3A_560, %get3A_583 : vector<16xf32>
        %mul3A_585 = arith.constant 5 : i32
        %mul3A_586 = arith.muli %scan3A_556, %mul3A_585 : i32
        %add3A_587 = arith.constant 1 : i32
        %add3A_588 = arith.addi %mul3A_586, %add3A_587 : i32
        %get3A_589 = arith.index_cast %add3A_588 : i32 to index
        %get3A_590 = arith.constant 0 : index
        %get3A_591 = tpu.vector_load %arg10[%get3A_589, %get3A_590] {strides = array<i32>} : memref<50x64xf32, #tpu.memory_space<vmem>>, vector<1x16xf32>,
        %get3A_592 = vector.shape_cast %get3A_591 : vector<1x16xf32> to vector<16xf32>
        %add3A_593 = arith.addf %add3A_569, %get3A_592 : vector<16xf32>
        %get3A_594 = arith.index_cast %add3A_588 : i32 to index
        %get3A_595 = arith.constant 16 : index
        %get3A_596 = tpu.vector_load %arg10[%get3A_594, %get3A_595] {strides = array<i32>} : memref<50x64xf32, #tpu.memory_space<vmem>>, vector<1x16xf32>,
        %get3A_597 = vector.shape_cast %get3A_596 : vector<1x16xf32> to vector<16xf32>
        %add3A_598 = arith.addf %add3A_574, %get3A_597 : vector<16xf32>
        %get3A_599 = arith.index_cast %add3A_588 : i32 to index
        %get3A_600 = arith.constant 32 : index
        %get3A_601 = tpu.vector_load %arg10[%get3A_599, %get3A_600] {strides = array<i32>} : memref<50x64xf32, #tpu.memory_space<vmem>>, vector<1x16xf32>,
        %get3A_602 = vector.shape_cast %get3A_601 : vector<1x16xf32> to vector<16xf32>
        %add3A_603 = arith.addf %add3A_579, %get3A_602 : vector<16xf32>
        %get3A_604 = arith.index_cast %add3A_588 : i32 to index
        %get3A_605 = arith.constant 48 : index
        %get3A_606 = tpu.vector_load %arg10[%get3A_604, %get3A_605] {strides = array<i32>} : memref<50x64xf32, #tpu.memory_space<vmem>>, vector<1x16xf32>,
        %get3A_607 = vector.shape_cast %get3A_606 : vector<1x16xf32> to vector<16xf32>
        %add3A_608 = arith.addf %add3A_584, %get3A_607 : vector<16xf32>
        %mul3A_609 = arith.constant 5 : i32
        %mul3A_610 = arith.muli %scan3A_556, %mul3A_609 : i32
        %add3A_611 = arith.constant 2 : i32
        %add3A_612 = arith.addi %mul3A_610, %add3A_611 : i32
        %get3A_613 = arith.index_cast %add3A_612 : i32 to index
        %get3A_614 = arith.constant 0 : index
        %get3A_615 = tpu.vector_load %arg10[%get3A_613, %get3A_614] {strides = array<i32>} : memref<50x64xf32, #tpu.memory_space<vmem>>, vector<1x16xf32>,
        %get3A_616 = vector.shape_cast %get3A_615 : vector<1x16xf32> to vector<16xf32>
        %add3A_617 = arith.addf %add3A_593, %get3A_616 : vector<16xf32>
        %get3A_618 = arith.index_cast %add3A_612 : i32 to index
        %get3A_619 = arith.constant 16 : index
        %get3A_620 = tpu.vector_load %arg10[%get3A_618, %get3A_619] {strides = array<i32>} : memref<50x64xf32, #tpu.memory_space<vmem>>, vector<1x16xf32>,
        %get3A_621 = vector.shape_cast %get3A_620 : vector<1x16xf32> to vector<16xf32>
        %add3A_622 = arith.addf %add3A_598, %get3A_621 : vector<16xf32>
        %get3A_623 = arith.index_cast %add3A_612 : i32 to index
        %get3A_624 = arith.constant 32 : index
        %get3A_625 = tpu.vector_load %arg10[%get3A_623, %get3A_624] {strides = array<i32>} : memref<50x64xf32, #tpu.memory_space<vmem>>, vector<1x16xf32>,
        %get3A_626 = vector.shape_cast %get3A_625 : vector<1x16xf32> to vector<16xf32>
        %add3A_627 = arith.addf %add3A_603, %get3A_626 : vector<16xf32>
        %get3A_628 = arith.index_cast %add3A_612 : i32 to index
        %get3A_629 = arith.constant 48 : index
        %get3A_630 = tpu.vector_load %arg10[%get3A_628, %get3A_629] {strides = array<i32>} : memref<50x64xf32, #tpu.memory_space<vmem>>, vector<1x16xf32>,
        %get3A_631 = vector.shape_cast %get3A_630 : vector<1x16xf32> to vector<16xf32>
        %add3A_632 = arith.addf %add3A_608, %get3A_631 : vector<16xf32>
        %mul3A_633 = arith.constant 5 : i32
        %mul3A_634 = arith.muli %scan3A_556, %mul3A_633 : i32
        %add3A_635 = arith.constant 3 : i32
        %add3A_636 = arith.addi %mul3A_634, %add3A_635 : i32
        %get3A_637 = arith.index_cast %add3A_636 : i32 to index
        %get3A_638 = arith.constant 0 : index
        %get3A_639 = tpu.vector_load %arg10[%get3A_637, %get3A_638] {strides = array<i32>} : memref<50x64xf32, #tpu.memory_space<vmem>>, vector<1x16xf32>,
        %get3A_640 = vector.shape_cast %get3A_639 : vector<1x16xf32> to vector<16xf32>
        %add3A_641 = arith.addf %add3A_617, %get3A_640 : vector<16xf32>
        %get3A_642 = arith.index_cast %add3A_636 : i32 to index
        %get3A_643 = arith.constant 16 : index
        %get3A_644 = tpu.vector_load %arg10[%get3A_642, %get3A_643] {strides = array<i32>} : memref<50x64xf32, #tpu.memory_space<vmem>>, vector<1x16xf32>,
        %get3A_645 = vector.shape_cast %get3A_644 : vector<1x16xf32> to vector<16xf32>
        %add3A_646 = arith.addf %add3A_622, %get3A_645 : vector<16xf32>
        %get3A_647 = arith.index_cast %add3A_636 : i32 to index
        %get3A_648 = arith.constant 32 : index
        %get3A_649 = tpu.vector_load %arg10[%get3A_647, %get3A_648] {strides = array<i32>} : memref<50x64xf32, #tpu.memory_space<vmem>>, vector<1x16xf32>,
        %get3A_650 = vector.shape_cast %get3A_649 : vector<1x16xf32> to vector<16xf32>
        %add3A_651 = arith.addf %add3A_627, %get3A_650 : vector<16xf32>
        %get3A_652 = arith.index_cast %add3A_636 : i32 to index
        %get3A_653 = arith.constant 48 : index
        %get3A_654 = tpu.vector_load %arg10[%get3A_652, %get3A_653] {strides = array<i32>} : memref<50x64xf32, #tpu.memory_space<vmem>>, vector<1x16xf32>,
        %get3A_655 = vector.shape_cast %get3A_654 : vector<1x16xf32> to vector<16xf32>
        %add3A_656 = arith.addf %add3A_632, %get3A_655 : vector<16xf32>
        %mul3A_657 = arith.constant 5 : i32
        %mul3A_658 = arith.muli %scan3A_556, %mul3A_657 : i32
        %add3A_659 = arith.constant 4 : i32
        %add3A_660 = arith.addi %mul3A_658, %add3A_659 : i32
        %get3A_661 = arith.index_cast %add3A_660 : i32 to index
        %get3A_662 = arith.constant 0 : index
        %get3A_663 = tpu.vector_load %arg10[%get3A_661, %get3A_662] {strides = array<i32>} : memref<50x64xf32, #tpu.memory_space<vmem>>, vector<1x16xf32>,
        %get3A_664 = vector.shape_cast %get3A_663 : vector<1x16xf32> to vector<16xf32>
        %add3A_665 = arith.addf %add3A_641, %get3A_664 : vector<16xf32>
        %get3A_666 = arith.index_cast %add3A_660 : i32 to index
        %get3A_667 = arith.constant 16 : index
        %get3A_668 = tpu.vector_load %arg10[%get3A_666, %get3A_667] {strides = array<i32>} : memref<50x64xf32, #tpu.memory_space<vmem>>, vector<1x16xf32>,
        %get3A_669 = vector.shape_cast %get3A_668 : vector<1x16xf32> to vector<16xf32>
        %add3A_670 = arith.addf %add3A_646, %get3A_669 : vector<16xf32>
        %get3A_671 = arith.index_cast %add3A_660 : i32 to index
        %get3A_672 = arith.constant 32 : index
        %get3A_673 = tpu.vector_load %arg10[%get3A_671, %get3A_672] {strides = array<i32>} : memref<50x64xf32, #tpu.memory_space<vmem>>, vector<1x16xf32>,
        %get3A_674 = vector.shape_cast %get3A_673 : vector<1x16xf32> to vector<16xf32>
        %add3A_675 = arith.addf %add3A_651, %get3A_674 : vector<16xf32>
        %get3A_676 = arith.index_cast %add3A_660 : i32 to index
        %get3A_677 = arith.constant 48 : index
        %get3A_678 = tpu.vector_load %arg10[%get3A_676, %get3A_677] {strides = array<i32>} : memref<50x64xf32, #tpu.memory_space<vmem>>, vector<1x16xf32>,
        %get3A_679 = vector.shape_cast %get3A_678 : vector<1x16xf32> to vector<16xf32>
        %add3A_680 = arith.addf %add3A_656, %get3A_679 : vector<16xf32>
        scf.yield %add3A_665, %add3A_670, %add3A_675, %add3A_680 : vector<16xf32>, vector<16xf32>, vector<16xf32>, vector<16xf32>
      }
      %scan3A_148 = arith.constant 10 : i32
      %div3A_149 = vector.broadcast %squeeze3A_134 : f32 to vector<16xf32>
      %div3A_150 = arith.divf %scan3A_147#0, %div3A_149 : vector<16xf32>
      %swap3A_151 = arith.index_cast %add3A_123 : i32 to index
      %swap3A_152 = arith.constant 0 : index
      %swap3A_153 = tpu.vector_load %arg7[%swap3A_151, %swap3A_152] {strides = array<i32>} : memref<512x64xf32, #tpu.memory_space<vmem>>, vector<1x16xf32>,
      %swap3A_154 = vector.shape_cast %swap3A_153 : vector<1x16xf32> to vector<16xf32>
      %swap3A_155 = vector.shape_cast %div3A_150 : vector<16xf32> to vector<1x16xf32>
      tpu.vector_store %arg7[%swap3A_151, %swap3A_152], %swap3A_155 {strides = array<i32>} : memref<512x64xf32, #tpu.memory_space<vmem>>, vector<1x16xf32>,
      %div3A_156 = vector.broadcast %squeeze3A_134 : f32 to vector<16xf32>
      %div3A_157 = arith.divf %scan3A_147#1, %div3A_156 : vector<16xf32>
      %swap3A_158 = arith.index_cast %add3A_123 : i32 to index
      %swap3A_159 = arith.constant 16 : index
      %swap3A_160 = tpu.vector_load %arg7[%swap3A_158, %swap3A_159] {strides = array<i32>} : memref<512x64xf32, #tpu.memory_space<vmem>>, vector<1x16xf32>,
      %swap3A_161 = vector.shape_cast %swap3A_160 : vector<1x16xf32> to vector<16xf32>
      %swap3A_162 = vector.shape_cast %div3A_157 : vector<16xf32> to vector<1x16xf32>
      tpu.vector_store %arg7[%swap3A_158, %swap3A_159], %swap3A_162 {strides = array<i32>} : memref<512x64xf32, #tpu.memory_space<vmem>>, vector<1x16xf32>,
      %div3A_163 = vector.broadcast %squeeze3A_134 : f32 to vector<16xf32>
      %div3A_164 = arith.divf %scan3A_147#2, %div3A_163 : vector<16xf32>
      %swap3A_165 = arith.index_cast %add3A_123 : i32 to index
      %swap3A_166 = arith.constant 32 : index
      %swap3A_167 = tpu.vector_load %arg7[%swap3A_165, %swap3A_166] {strides = array<i32>} : memref<512x64xf32, #tpu.memory_space<vmem>>, vector<1x16xf32>,
      %swap3A_168 = vector.shape_cast %swap3A_167 : vector<1x16xf32> to vector<16xf32>
      %swap3A_169 = vector.shape_cast %div3A_164 : vector<16xf32> to vector<1x16xf32>
      tpu.vector_store %arg7[%swap3A_165, %swap3A_166], %swap3A_169 {strides = array<i32>} : memref<512x64xf32, #tpu.memory_space<vmem>>, vector<1x16xf32>,
      %div3A_170 = vector.broadcast %squeeze3A_134 : f32 to vector<16xf32>
      %div3A_171 = arith.divf %scan3A_147#3, %div3A_170 : vector<16xf32>
      %swap3A_172 = arith.index_cast %add3A_123 : i32 to index
      %swap3A_173 = arith.constant 48 : index
      %swap3A_174 = tpu.vector_load %arg7[%swap3A_172, %swap3A_173] {strides = array<i32>} : memref<512x64xf32, #tpu.memory_space<vmem>>, vector<1x16xf32>,
      %swap3A_175 = vector.shape_cast %swap3A_174 : vector<1x16xf32> to vector<16xf32>
      %swap3A_176 = vector.shape_cast %div3A_171 : vector<16xf32> to vector<1x16xf32>
      tpu.vector_store %arg7[%swap3A_172, %swap3A_173], %swap3A_176 {strides = array<i32>} : memref<512x64xf32, #tpu.memory_space<vmem>>, vector<1x16xf32>,
      %add3A_177 = arith.constant 8 : i32
      %add3A_178 = arith.addi %add3A_123, %add3A_177 : i32
      %lt3A_179 = arith.constant 512 : i32
      %lt3A_180 = arith.cmpi slt, %add3A_178, %lt3A_179 : i32
      %convert_element_type3A_181 = arith.extui %lt3A_180 : i1 to i32
      %cond3A_182 = arith.constant 0 : i32
      %cond3A_183 = arith.cmpi ne, %convert_element_type3A_181, %cond3A_182 : i32
      scf.if %cond3A_183 {
        %dma_start3A_556 = arith.constant 0 : i32
        %dma_start3A_557 = tpu.memref_slice %arg6[%add3A_178, %dma_start3A_556] : memref<512x50xi32, #tpu.memory_space<vmem>> -> memref<1x50xi32, #tpu.memory_space<vmem>>
        %dma_start3A_558 = tpu.memref_squeeze %dma_start3A_557 : memref<1x50xi32, #tpu.memory_space<vmem>> -> memref<50xi32, #tpu.memory_space<vmem>>
        %dma_start3A_559 = arith.constant 0 : i32
        %dma_start3A_560 = arith.constant 0 : i32
        %dma_start3A_561 = tpu.memref_slice %arg4[%dma_start3A_559, %dma_start3A_560] : memref<1000000x64xf32, #tpu.memory_space<hbm>> -> memref<1000000x64xf32, #tpu.memory_space<hbm>>
        tpu.enqueue_indirect_dma source(%dma_start3A_561 : memref<1000000x64xf32, #tpu.memory_space<hbm>>) target(%arg10 : memref<50x64xf32, #tpu.memory_space<vmem>>) offsets(%dma_start3A_558 : memref<50xi32, #tpu.memory_space<vmem>>) semaphore(%arg18 : memref<!tpu.dma_semaphore, #tpu.memory_space<semaphore_mem>>)
      } else {
      }
      %add3A_184 = arith.constant 2 : i32
      %add3A_185 = arith.addi %mul3A_69, %add3A_184 : i32
      %dma_wait3A_186 = arith.constant 0 : i32
      %dma_wait3A_187 = tpu.memref_slice %arg6[%add3A_185, %dma_wait3A_186] : memref<512x50xi32, #tpu.memory_space<vmem>> -> memref<1x50xi32, #tpu.memory_space<vmem>>
      %dma_wait3A_188 = tpu.memref_squeeze %dma_wait3A_187 : memref<1x50xi32, #tpu.memory_space<vmem>> -> memref<50xi32, #tpu.memory_space<vmem>>
      %dma_wait3A_189 = arith.constant 0 : i32
      %dma_wait3A_190 = arith.constant 0 : i32
      %dma_wait3A_191 = tpu.memref_slice %arg4[%dma_wait3A_189, %dma_wait3A_190] : memref<1000000x64xf32, #tpu.memory_space<hbm>> -> memref<1000000x64xf32, #tpu.memory_space<hbm>>
      tpu.wait_indirect_dma semaphore(%arg19 : memref<!tpu.dma_semaphore, #tpu.memory_space<semaphore_mem>>) src(%dma_wait3A_191 : memref<1000000x64xf32, #tpu.memory_space<hbm>>) dst(%arg11 : memref<50x64xf32, #tpu.memory_space<vmem>>)
      %get3A_192 = arith.index_cast %add3A_185 : i32 to index
      %get3A_193 = tpu.vector_load %arg8[%get3A_192] {strides = array<i32>} : memref<528xf32, #tpu.memory_space<vmem>>, vector<16xf32>,
      %get3A_194 = vector.shape_cast %get3A_193 : vector<16xf32> to vector<16xf32>
      %slice3A_195 = vector.extract_strided_slice %get3A_194 {offsets = [0], sizes = [1], strides = [1]} : vector<16xf32> to vector<1xf32>
      %squeeze3A_196 = vector.extract %slice3A_195[0] : f32 from vector<1xf32>
      %broadcast_in_dim3A_197 = arith.constant 0.000000e+00 : f32
      %broadcast_in_dim3A_198 = vector.broadcast %broadcast_in_dim3A_197 : f32 to vector<16xf32>
      %broadcast_in_dim3A_199 = arith.constant 0.000000e+00 : f32
      %broadcast_in_dim3A_200 = vector.broadcast %broadcast_in_dim3A_199 : f32 to vector<16xf32>
      %broadcast_in_dim3A_201 = arith.constant 0.000000e+00 : f32
      %broadcast_in_dim3A_202 = vector.broadcast %broadcast_in_dim3A_201 : f32 to vector<16xf32>
      %broadcast_in_dim3A_203 = arith.constant 0.000000e+00 : f32
      %broadcast_in_dim3A_204 = vector.broadcast %broadcast_in_dim3A_203 : f32 to vector<16xf32>
      %scan3A_205 = arith.constant 0 : i32
      %scan3A_206 = arith.constant 10 : i32
      %scan3A_207 = arith.addi %scan3A_205, %scan3A_206 : i32
      %scan3A_208 = arith.constant 1 : i32
      %scan3A_209:4 = scf.for %scan3A_556 = %scan3A_205 to %scan3A_207 step %scan3A_208 iter_args(%scan3A_557 = %broadcast_in_dim3A_198, %scan3A_558 = %broadcast_in_dim3A_200, %scan3A_559 = %broadcast_in_dim3A_202, %scan3A_560 = %broadcast_in_dim3A_204) -> (vector<16xf32>, vector<16xf32>, vector<16xf32>, vector<16xf32>)  : i32 {
        %mul3A_561 = arith.constant 5 : i32
        %mul3A_562 = arith.muli %scan3A_556, %mul3A_561 : i32
        %add3A_563 = arith.constant 0 : i32
        %add3A_564 = arith.addi %mul3A_562, %add3A_563 : i32
        %get3A_565 = arith.index_cast %add3A_564 : i32 to index
        %get3A_566 = arith.constant 0 : index
        %get3A_567 = tpu.vector_load %arg11[%get3A_565, %get3A_566] {strides = array<i32>} : memref<50x64xf32, #tpu.memory_space<vmem>>, vector<1x16xf32>,
        %get3A_568 = vector.shape_cast %get3A_567 : vector<1x16xf32> to vector<16xf32>
        %add3A_569 = arith.addf %scan3A_557, %get3A_568 : vector<16xf32>
        %get3A_570 = arith.index_cast %add3A_564 : i32 to index
        %get3A_571 = arith.constant 16 : index
        %get3A_572 = tpu.vector_load %arg11[%get3A_570, %get3A_571] {strides = array<i32>} : memref<50x64xf32, #tpu.memory_space<vmem>>, vector<1x16xf32>,
        %get3A_573 = vector.shape_cast %get3A_572 : vector<1x16xf32> to vector<16xf32>
        %add3A_574 = arith.addf %scan3A_558, %get3A_573 : vector<16xf32>
        %get3A_575 = arith.index_cast %add3A_564 : i32 to index
        %get3A_576 = arith.constant 32 : index
        %get3A_577 = tpu.vector_load %arg11[%get3A_575, %get3A_576] {strides = array<i32>} : memref<50x64xf32, #tpu.memory_space<vmem>>, vector<1x16xf32>,
        %get3A_578 = vector.shape_cast %get3A_577 : vector<1x16xf32> to vector<16xf32>
        %add3A_579 = arith.addf %scan3A_559, %get3A_578 : vector<16xf32>
        %get3A_580 = arith.index_cast %add3A_564 : i32 to index
        %get3A_581 = arith.constant 48 : index
        %get3A_582 = tpu.vector_load %arg11[%get3A_580, %get3A_581] {strides = array<i32>} : memref<50x64xf32, #tpu.memory_space<vmem>>, vector<1x16xf32>,
        %get3A_583 = vector.shape_cast %get3A_582 : vector<1x16xf32> to vector<16xf32>
        %add3A_584 = arith.addf %scan3A_560, %get3A_583 : vector<16xf32>
        %mul3A_585 = arith.constant 5 : i32
        %mul3A_586 = arith.muli %scan3A_556, %mul3A_585 : i32
        %add3A_587 = arith.constant 1 : i32
        %add3A_588 = arith.addi %mul3A_586, %add3A_587 : i32
        %get3A_589 = arith.index_cast %add3A_588 : i32 to index
        %get3A_590 = arith.constant 0 : index
        %get3A_591 = tpu.vector_load %arg11[%get3A_589, %get3A_590] {strides = array<i32>} : memref<50x64xf32, #tpu.memory_space<vmem>>, vector<1x16xf32>,
        %get3A_592 = vector.shape_cast %get3A_591 : vector<1x16xf32> to vector<16xf32>
        %add3A_593 = arith.addf %add3A_569, %get3A_592 : vector<16xf32>
        %get3A_594 = arith.index_cast %add3A_588 : i32 to index
        %get3A_595 = arith.constant 16 : index
        %get3A_596 = tpu.vector_load %arg11[%get3A_594, %get3A_595] {strides = array<i32>} : memref<50x64xf32, #tpu.memory_space<vmem>>, vector<1x16xf32>,
        %get3A_597 = vector.shape_cast %get3A_596 : vector<1x16xf32> to vector<16xf32>
        %add3A_598 = arith.addf %add3A_574, %get3A_597 : vector<16xf32>
        %get3A_599 = arith.index_cast %add3A_588 : i32 to index
        %get3A_600 = arith.constant 32 : index
        %get3A_601 = tpu.vector_load %arg11[%get3A_599, %get3A_600] {strides = array<i32>} : memref<50x64xf32, #tpu.memory_space<vmem>>, vector<1x16xf32>,
        %get3A_602 = vector.shape_cast %get3A_601 : vector<1x16xf32> to vector<16xf32>
        %add3A_603 = arith.addf %add3A_579, %get3A_602 : vector<16xf32>
        %get3A_604 = arith.index_cast %add3A_588 : i32 to index
        %get3A_605 = arith.constant 48 : index
        %get3A_606 = tpu.vector_load %arg11[%get3A_604, %get3A_605] {strides = array<i32>} : memref<50x64xf32, #tpu.memory_space<vmem>>, vector<1x16xf32>,
        %get3A_607 = vector.shape_cast %get3A_606 : vector<1x16xf32> to vector<16xf32>
        %add3A_608 = arith.addf %add3A_584, %get3A_607 : vector<16xf32>
        %mul3A_609 = arith.constant 5 : i32
        %mul3A_610 = arith.muli %scan3A_556, %mul3A_609 : i32
        %add3A_611 = arith.constant 2 : i32
        %add3A_612 = arith.addi %mul3A_610, %add3A_611 : i32
        %get3A_613 = arith.index_cast %add3A_612 : i32 to index
        %get3A_614 = arith.constant 0 : index
        %get3A_615 = tpu.vector_load %arg11[%get3A_613, %get3A_614] {strides = array<i32>} : memref<50x64xf32, #tpu.memory_space<vmem>>, vector<1x16xf32>,
        %get3A_616 = vector.shape_cast %get3A_615 : vector<1x16xf32> to vector<16xf32>
        %add3A_617 = arith.addf %add3A_593, %get3A_616 : vector<16xf32>
        %get3A_618 = arith.index_cast %add3A_612 : i32 to index
        %get3A_619 = arith.constant 16 : index
        %get3A_620 = tpu.vector_load %arg11[%get3A_618, %get3A_619] {strides = array<i32>} : memref<50x64xf32, #tpu.memory_space<vmem>>, vector<1x16xf32>,
        %get3A_621 = vector.shape_cast %get3A_620 : vector<1x16xf32> to vector<16xf32>
        %add3A_622 = arith.addf %add3A_598, %get3A_621 : vector<16xf32>
        %get3A_623 = arith.index_cast %add3A_612 : i32 to index
        %get3A_624 = arith.constant 32 : index
        %get3A_625 = tpu.vector_load %arg11[%get3A_623, %get3A_624] {strides = array<i32>} : memref<50x64xf32, #tpu.memory_space<vmem>>, vector<1x16xf32>,
        %get3A_626 = vector.shape_cast %get3A_625 : vector<1x16xf32> to vector<16xf32>
        %add3A_627 = arith.addf %add3A_603, %get3A_626 : vector<16xf32>
        %get3A_628 = arith.index_cast %add3A_612 : i32 to index
        %get3A_629 = arith.constant 48 : index
        %get3A_630 = tpu.vector_load %arg11[%get3A_628, %get3A_629] {strides = array<i32>} : memref<50x64xf32, #tpu.memory_space<vmem>>, vector<1x16xf32>,
        %get3A_631 = vector.shape_cast %get3A_630 : vector<1x16xf32> to vector<16xf32>
        %add3A_632 = arith.addf %add3A_608, %get3A_631 : vector<16xf32>
        %mul3A_633 = arith.constant 5 : i32
        %mul3A_634 = arith.muli %scan3A_556, %mul3A_633 : i32
        %add3A_635 = arith.constant 3 : i32
        %add3A_636 = arith.addi %mul3A_634, %add3A_635 : i32
        %get3A_637 = arith.index_cast %add3A_636 : i32 to index
        %get3A_638 = arith.constant 0 : index
        %get3A_639 = tpu.vector_load %arg11[%get3A_637, %get3A_638] {strides = array<i32>} : memref<50x64xf32, #tpu.memory_space<vmem>>, vector<1x16xf32>,
        %get3A_640 = vector.shape_cast %get3A_639 : vector<1x16xf32> to vector<16xf32>
        %add3A_641 = arith.addf %add3A_617, %get3A_640 : vector<16xf32>
        %get3A_642 = arith.index_cast %add3A_636 : i32 to index
        %get3A_643 = arith.constant 16 : index
        %get3A_644 = tpu.vector_load %arg11[%get3A_642, %get3A_643] {strides = array<i32>} : memref<50x64xf32, #tpu.memory_space<vmem>>, vector<1x16xf32>,
        %get3A_645 = vector.shape_cast %get3A_644 : vector<1x16xf32> to vector<16xf32>
        %add3A_646 = arith.addf %add3A_622, %get3A_645 : vector<16xf32>
        %get3A_647 = arith.index_cast %add3A_636 : i32 to index
        %get3A_648 = arith.constant 32 : index
        %get3A_649 = tpu.vector_load %arg11[%get3A_647, %get3A_648] {strides = array<i32>} : memref<50x64xf32, #tpu.memory_space<vmem>>, vector<1x16xf32>,
        %get3A_650 = vector.shape_cast %get3A_649 : vector<1x16xf32> to vector<16xf32>
        %add3A_651 = arith.addf %add3A_627, %get3A_650 : vector<16xf32>
        %get3A_652 = arith.index_cast %add3A_636 : i32 to index
        %get3A_653 = arith.constant 48 : index
        %get3A_654 = tpu.vector_load %arg11[%get3A_652, %get3A_653] {strides = array<i32>} : memref<50x64xf32, #tpu.memory_space<vmem>>, vector<1x16xf32>,
        %get3A_655 = vector.shape_cast %get3A_654 : vector<1x16xf32> to vector<16xf32>
        %add3A_656 = arith.addf %add3A_632, %get3A_655 : vector<16xf32>
        %mul3A_657 = arith.constant 5 : i32
        %mul3A_658 = arith.muli %scan3A_556, %mul3A_657 : i32
        %add3A_659 = arith.constant 4 : i32
        %add3A_660 = arith.addi %mul3A_658, %add3A_659 : i32
        %get3A_661 = arith.index_cast %add3A_660 : i32 to index
        %get3A_662 = arith.constant 0 : index
        %get3A_663 = tpu.vector_load %arg11[%get3A_661, %get3A_662] {strides = array<i32>} : memref<50x64xf32, #tpu.memory_space<vmem>>, vector<1x16xf32>,
        %get3A_664 = vector.shape_cast %get3A_663 : vector<1x16xf32> to vector<16xf32>
        %add3A_665 = arith.addf %add3A_641, %get3A_664 : vector<16xf32>
        %get3A_666 = arith.index_cast %add3A_660 : i32 to index
        %get3A_667 = arith.constant 16 : index
        %get3A_668 = tpu.vector_load %arg11[%get3A_666, %get3A_667] {strides = array<i32>} : memref<50x64xf32, #tpu.memory_space<vmem>>, vector<1x16xf32>,
        %get3A_669 = vector.shape_cast %get3A_668 : vector<1x16xf32> to vector<16xf32>
        %add3A_670 = arith.addf %add3A_646, %get3A_669 : vector<16xf32>
        %get3A_671 = arith.index_cast %add3A_660 : i32 to index
        %get3A_672 = arith.constant 32 : index
        %get3A_673 = tpu.vector_load %arg11[%get3A_671, %get3A_672] {strides = array<i32>} : memref<50x64xf32, #tpu.memory_space<vmem>>, vector<1x16xf32>,
        %get3A_674 = vector.shape_cast %get3A_673 : vector<1x16xf32> to vector<16xf32>
        %add3A_675 = arith.addf %add3A_651, %get3A_674 : vector<16xf32>
        %get3A_676 = arith.index_cast %add3A_660 : i32 to index
        %get3A_677 = arith.constant 48 : index
        %get3A_678 = tpu.vector_load %arg11[%get3A_676, %get3A_677] {strides = array<i32>} : memref<50x64xf32, #tpu.memory_space<vmem>>, vector<1x16xf32>,
        %get3A_679 = vector.shape_cast %get3A_678 : vector<1x16xf32> to vector<16xf32>
        %add3A_680 = arith.addf %add3A_656, %get3A_679 : vector<16xf32>
        scf.yield %add3A_665, %add3A_670, %add3A_675, %add3A_680 : vector<16xf32>, vector<16xf32>, vector<16xf32>, vector<16xf32>
      }
      %scan3A_210 = arith.constant 10 : i32
      %div3A_211 = vector.broadcast %squeeze3A_196 : f32 to vector<16xf32>
      %div3A_212 = arith.divf %scan3A_209#0, %div3A_211 : vector<16xf32>
      %swap3A_213 = arith.index_cast %add3A_185 : i32 to index
      %swap3A_214 = arith.constant 0 : index
      %swap3A_215 = tpu.vector_load %arg7[%swap3A_213, %swap3A_214] {strides = array<i32>} : memref<512x64xf32, #tpu.memory_space<vmem>>, vector<1x16xf32>,
      %swap3A_216 = vector.shape_cast %swap3A_215 : vector<1x16xf32> to vector<16xf32>
      %swap3A_217 = vector.shape_cast %div3A_212 : vector<16xf32> to vector<1x16xf32>
      tpu.vector_store %arg7[%swap3A_213, %swap3A_214], %swap3A_217 {strides = array<i32>} : memref<512x64xf32, #tpu.memory_space<vmem>>, vector<1x16xf32>,
      %div3A_218 = vector.broadcast %squeeze3A_196 : f32 to vector<16xf32>
      %div3A_219 = arith.divf %scan3A_209#1, %div3A_218 : vector<16xf32>
      %swap3A_220 = arith.index_cast %add3A_185 : i32 to index
      %swap3A_221 = arith.constant 16 : index
      %swap3A_222 = tpu.vector_load %arg7[%swap3A_220, %swap3A_221] {strides = array<i32>} : memref<512x64xf32, #tpu.memory_space<vmem>>, vector<1x16xf32>,
      %swap3A_223 = vector.shape_cast %swap3A_222 : vector<1x16xf32> to vector<16xf32>
      %swap3A_224 = vector.shape_cast %div3A_219 : vector<16xf32> to vector<1x16xf32>
      tpu.vector_store %arg7[%swap3A_220, %swap3A_221], %swap3A_224 {strides = array<i32>} : memref<512x64xf32, #tpu.memory_space<vmem>>, vector<1x16xf32>,
      %div3A_225 = vector.broadcast %squeeze3A_196 : f32 to vector<16xf32>
      %div3A_226 = arith.divf %scan3A_209#2, %div3A_225 : vector<16xf32>
      %swap3A_227 = arith.index_cast %add3A_185 : i32 to index
      %swap3A_228 = arith.constant 32 : index
      %swap3A_229 = tpu.vector_load %arg7[%swap3A_227, %swap3A_228] {strides = array<i32>} : memref<512x64xf32, #tpu.memory_space<vmem>>, vector<1x16xf32>,
      %swap3A_230 = vector.shape_cast %swap3A_229 : vector<1x16xf32> to vector<16xf32>
      %swap3A_231 = vector.shape_cast %div3A_226 : vector<16xf32> to vector<1x16xf32>
      tpu.vector_store %arg7[%swap3A_227, %swap3A_228], %swap3A_231 {strides = array<i32>} : memref<512x64xf32, #tpu.memory_space<vmem>>, vector<1x16xf32>,
      %div3A_232 = vector.broadcast %squeeze3A_196 : f32 to vector<16xf32>
      %div3A_233 = arith.divf %scan3A_209#3, %div3A_232 : vector<16xf32>
      %swap3A_234 = arith.index_cast %add3A_185 : i32 to index
      %swap3A_235 = arith.constant 48 : index
      %swap3A_236 = tpu.vector_load %arg7[%swap3A_234, %swap3A_235] {strides = array<i32>} : memref<512x64xf32, #tpu.memory_space<vmem>>, vector<1x16xf32>,
      %swap3A_237 = vector.shape_cast %swap3A_236 : vector<1x16xf32> to vector<16xf32>
      %swap3A_238 = vector.shape_cast %div3A_233 : vector<16xf32> to vector<1x16xf32>
      tpu.vector_store %arg7[%swap3A_234, %swap3A_235], %swap3A_238 {strides = array<i32>} : memref<512x64xf32, #tpu.memory_space<vmem>>, vector<1x16xf32>,
      %add3A_239 = arith.constant 8 : i32
      %add3A_240 = arith.addi %add3A_185, %add3A_239 : i32
      %lt3A_241 = arith.constant 512 : i32
      %lt3A_242 = arith.cmpi slt, %add3A_240, %lt3A_241 : i32
      %convert_element_type3A_243 = arith.extui %lt3A_242 : i1 to i32
      %cond3A_244 = arith.constant 0 : i32
      %cond3A_245 = arith.cmpi ne, %convert_element_type3A_243, %cond3A_244 : i32
      scf.if %cond3A_245 {
        %dma_start3A_556 = arith.constant 0 : i32
        %dma_start3A_557 = tpu.memref_slice %arg6[%add3A_240, %dma_start3A_556] : memref<512x50xi32, #tpu.memory_space<vmem>> -> memref<1x50xi32, #tpu.memory_space<vmem>>
        %dma_start3A_558 = tpu.memref_squeeze %dma_start3A_557 : memref<1x50xi32, #tpu.memory_space<vmem>> -> memref<50xi32, #tpu.memory_space<vmem>>
        %dma_start3A_559 = arith.constant 0 : i32
        %dma_start3A_560 = arith.constant 0 : i32
        %dma_start3A_561 = tpu.memref_slice %arg4[%dma_start3A_559, %dma_start3A_560] : memref<1000000x64xf32, #tpu.memory_space<hbm>> -> memref<1000000x64xf32, #tpu.memory_space<hbm>>
        tpu.enqueue_indirect_dma source(%dma_start3A_561 : memref<1000000x64xf32, #tpu.memory_space<hbm>>) target(%arg11 : memref<50x64xf32, #tpu.memory_space<vmem>>) offsets(%dma_start3A_558 : memref<50xi32, #tpu.memory_space<vmem>>) semaphore(%arg19 : memref<!tpu.dma_semaphore, #tpu.memory_space<semaphore_mem>>)
      } else {
      }
      %add3A_246 = arith.constant 3 : i32
      %add3A_247 = arith.addi %mul3A_69, %add3A_246 : i32
      %dma_wait3A_248 = arith.constant 0 : i32
      %dma_wait3A_249 = tpu.memref_slice %arg6[%add3A_247, %dma_wait3A_248] : memref<512x50xi32, #tpu.memory_space<vmem>> -> memref<1x50xi32, #tpu.memory_space<vmem>>
      %dma_wait3A_250 = tpu.memref_squeeze %dma_wait3A_249 : memref<1x50xi32, #tpu.memory_space<vmem>> -> memref<50xi32, #tpu.memory_space<vmem>>
      %dma_wait3A_251 = arith.constant 0 : i32
      %dma_wait3A_252 = arith.constant 0 : i32
      %dma_wait3A_253 = tpu.memref_slice %arg4[%dma_wait3A_251, %dma_wait3A_252] : memref<1000000x64xf32, #tpu.memory_space<hbm>> -> memref<1000000x64xf32, #tpu.memory_space<hbm>>
      tpu.wait_indirect_dma semaphore(%arg20 : memref<!tpu.dma_semaphore, #tpu.memory_space<semaphore_mem>>) src(%dma_wait3A_253 : memref<1000000x64xf32, #tpu.memory_space<hbm>>) dst(%arg12 : memref<50x64xf32, #tpu.memory_space<vmem>>)
      %get3A_254 = arith.index_cast %add3A_247 : i32 to index
      %get3A_255 = tpu.vector_load %arg8[%get3A_254] {strides = array<i32>} : memref<528xf32, #tpu.memory_space<vmem>>, vector<16xf32>,
      %get3A_256 = vector.shape_cast %get3A_255 : vector<16xf32> to vector<16xf32>
      %slice3A_257 = vector.extract_strided_slice %get3A_256 {offsets = [0], sizes = [1], strides = [1]} : vector<16xf32> to vector<1xf32>
      %squeeze3A_258 = vector.extract %slice3A_257[0] : f32 from vector<1xf32>
      %broadcast_in_dim3A_259 = arith.constant 0.000000e+00 : f32
      %broadcast_in_dim3A_260 = vector.broadcast %broadcast_in_dim3A_259 : f32 to vector<16xf32>
      %broadcast_in_dim3A_261 = arith.constant 0.000000e+00 : f32
      %broadcast_in_dim3A_262 = vector.broadcast %broadcast_in_dim3A_261 : f32 to vector<16xf32>
      %broadcast_in_dim3A_263 = arith.constant 0.000000e+00 : f32
      %broadcast_in_dim3A_264 = vector.broadcast %broadcast_in_dim3A_263 : f32 to vector<16xf32>
      %broadcast_in_dim3A_265 = arith.constant 0.000000e+00 : f32
      %broadcast_in_dim3A_266 = vector.broadcast %broadcast_in_dim3A_265 : f32 to vector<16xf32>
      %scan3A_267 = arith.constant 0 : i32
      %scan3A_268 = arith.constant 10 : i32
      %scan3A_269 = arith.addi %scan3A_267, %scan3A_268 : i32
      %scan3A_270 = arith.constant 1 : i32
      %scan3A_271:4 = scf.for %scan3A_556 = %scan3A_267 to %scan3A_269 step %scan3A_270 iter_args(%scan3A_557 = %broadcast_in_dim3A_260, %scan3A_558 = %broadcast_in_dim3A_262, %scan3A_559 = %broadcast_in_dim3A_264, %scan3A_560 = %broadcast_in_dim3A_266) -> (vector<16xf32>, vector<16xf32>, vector<16xf32>, vector<16xf32>)  : i32 {
        %mul3A_561 = arith.constant 5 : i32
        %mul3A_562 = arith.muli %scan3A_556, %mul3A_561 : i32
        %add3A_563 = arith.constant 0 : i32
        %add3A_564 = arith.addi %mul3A_562, %add3A_563 : i32
        %get3A_565 = arith.index_cast %add3A_564 : i32 to index
        %get3A_566 = arith.constant 0 : index
        %get3A_567 = tpu.vector_load %arg12[%get3A_565, %get3A_566] {strides = array<i32>} : memref<50x64xf32, #tpu.memory_space<vmem>>, vector<1x16xf32>,
        %get3A_568 = vector.shape_cast %get3A_567 : vector<1x16xf32> to vector<16xf32>
        %add3A_569 = arith.addf %scan3A_557, %get3A_568 : vector<16xf32>
        %get3A_570 = arith.index_cast %add3A_564 : i32 to index
        %get3A_571 = arith.constant 16 : index
        %get3A_572 = tpu.vector_load %arg12[%get3A_570, %get3A_571] {strides = array<i32>} : memref<50x64xf32, #tpu.memory_space<vmem>>, vector<1x16xf32>,
        %get3A_573 = vector.shape_cast %get3A_572 : vector<1x16xf32> to vector<16xf32>
        %add3A_574 = arith.addf %scan3A_558, %get3A_573 : vector<16xf32>
        %get3A_575 = arith.index_cast %add3A_564 : i32 to index
        %get3A_576 = arith.constant 32 : index
        %get3A_577 = tpu.vector_load %arg12[%get3A_575, %get3A_576] {strides = array<i32>} : memref<50x64xf32, #tpu.memory_space<vmem>>, vector<1x16xf32>,
        %get3A_578 = vector.shape_cast %get3A_577 : vector<1x16xf32> to vector<16xf32>
        %add3A_579 = arith.addf %scan3A_559, %get3A_578 : vector<16xf32>
        %get3A_580 = arith.index_cast %add3A_564 : i32 to index
        %get3A_581 = arith.constant 48 : index
        %get3A_582 = tpu.vector_load %arg12[%get3A_580, %get3A_581] {strides = array<i32>} : memref<50x64xf32, #tpu.memory_space<vmem>>, vector<1x16xf32>,
        %get3A_583 = vector.shape_cast %get3A_582 : vector<1x16xf32> to vector<16xf32>
        %add3A_584 = arith.addf %scan3A_560, %get3A_583 : vector<16xf32>
        %mul3A_585 = arith.constant 5 : i32
        %mul3A_586 = arith.muli %scan3A_556, %mul3A_585 : i32
        %add3A_587 = arith.constant 1 : i32
        %add3A_588 = arith.addi %mul3A_586, %add3A_587 : i32
        %get3A_589 = arith.index_cast %add3A_588 : i32 to index
        %get3A_590 = arith.constant 0 : index
        %get3A_591 = tpu.vector_load %arg12[%get3A_589, %get3A_590] {strides = array<i32>} : memref<50x64xf32, #tpu.memory_space<vmem>>, vector<1x16xf32>,
        %get3A_592 = vector.shape_cast %get3A_591 : vector<1x16xf32> to vector<16xf32>
        %add3A_593 = arith.addf %add3A_569, %get3A_592 : vector<16xf32>
        %get3A_594 = arith.index_cast %add3A_588 : i32 to index
        %get3A_595 = arith.constant 16 : index
        %get3A_596 = tpu.vector_load %arg12[%get3A_594, %get3A_595] {strides = array<i32>} : memref<50x64xf32, #tpu.memory_space<vmem>>, vector<1x16xf32>,
        %get3A_597 = vector.shape_cast %get3A_596 : vector<1x16xf32> to vector<16xf32>
        %add3A_598 = arith.addf %add3A_574, %get3A_597 : vector<16xf32>
        %get3A_599 = arith.index_cast %add3A_588 : i32 to index
        %get3A_600 = arith.constant 32 : index
        %get3A_601 = tpu.vector_load %arg12[%get3A_599, %get3A_600] {strides = array<i32>} : memref<50x64xf32, #tpu.memory_space<vmem>>, vector<1x16xf32>,
        %get3A_602 = vector.shape_cast %get3A_601 : vector<1x16xf32> to vector<16xf32>
        %add3A_603 = arith.addf %add3A_579, %get3A_602 : vector<16xf32>
        %get3A_604 = arith.index_cast %add3A_588 : i32 to index
        %get3A_605 = arith.constant 48 : index
        %get3A_606 = tpu.vector_load %arg12[%get3A_604, %get3A_605] {strides = array<i32>} : memref<50x64xf32, #tpu.memory_space<vmem>>, vector<1x16xf32>,
        %get3A_607 = vector.shape_cast %get3A_606 : vector<1x16xf32> to vector<16xf32>
        %add3A_608 = arith.addf %add3A_584, %get3A_607 : vector<16xf32>
        %mul3A_609 = arith.constant 5 : i32
        %mul3A_610 = arith.muli %scan3A_556, %mul3A_609 : i32
        %add3A_611 = arith.constant 2 : i32
        %add3A_612 = arith.addi %mul3A_610, %add3A_611 : i32
        %get3A_613 = arith.index_cast %add3A_612 : i32 to index
        %get3A_614 = arith.constant 0 : index
        %get3A_615 = tpu.vector_load %arg12[%get3A_613, %get3A_614] {strides = array<i32>} : memref<50x64xf32, #tpu.memory_space<vmem>>, vector<1x16xf32>,
        %get3A_616 = vector.shape_cast %get3A_615 : vector<1x16xf32> to vector<16xf32>
        %add3A_617 = arith.addf %add3A_593, %get3A_616 : vector<16xf32>
        %get3A_618 = arith.index_cast %add3A_612 : i32 to index
        %get3A_619 = arith.constant 16 : index
        %get3A_620 = tpu.vector_load %arg12[%get3A_618, %get3A_619] {strides = array<i32>} : memref<50x64xf32, #tpu.memory_space<vmem>>, vector<1x16xf32>,
        %get3A_621 = vector.shape_cast %get3A_620 : vector<1x16xf32> to vector<16xf32>
        %add3A_622 = arith.addf %add3A_598, %get3A_621 : vector<16xf32>
        %get3A_623 = arith.index_cast %add3A_612 : i32 to index
        %get3A_624 = arith.constant 32 : index
        %get3A_625 = tpu.vector_load %arg12[%get3A_623, %get3A_624] {strides = array<i32>} : memref<50x64xf32, #tpu.memory_space<vmem>>, vector<1x16xf32>,
        %get3A_626 = vector.shape_cast %get3A_625 : vector<1x16xf32> to vector<16xf32>
        %add3A_627 = arith.addf %add3A_603, %get3A_626 : vector<16xf32>
        %get3A_628 = arith.index_cast %add3A_612 : i32 to index
        %get3A_629 = arith.constant 48 : index
        %get3A_630 = tpu.vector_load %arg12[%get3A_628, %get3A_629] {strides = array<i32>} : memref<50x64xf32, #tpu.memory_space<vmem>>, vector<1x16xf32>,
        %get3A_631 = vector.shape_cast %get3A_630 : vector<1x16xf32> to vector<16xf32>
        %add3A_632 = arith.addf %add3A_608, %get3A_631 : vector<16xf32>
        %mul3A_633 = arith.constant 5 : i32
        %mul3A_634 = arith.muli %scan3A_556, %mul3A_633 : i32
        %add3A_635 = arith.constant 3 : i32
        %add3A_636 = arith.addi %mul3A_634, %add3A_635 : i32
        %get3A_637 = arith.index_cast %add3A_636 : i32 to index
        %get3A_638 = arith.constant 0 : index
        %get3A_639 = tpu.vector_load %arg12[%get3A_637, %get3A_638] {strides = array<i32>} : memref<50x64xf32, #tpu.memory_space<vmem>>, vector<1x16xf32>,
        %get3A_640 = vector.shape_cast %get3A_639 : vector<1x16xf32> to vector<16xf32>
        %add3A_641 = arith.addf %add3A_617, %get3A_640 : vector<16xf32>
        %get3A_642 = arith.index_cast %add3A_636 : i32 to index
        %get3A_643 = arith.constant 16 : index
        %get3A_644 = tpu.vector_load %arg12[%get3A_642, %get3A_643] {strides = array<i32>} : memref<50x64xf32, #tpu.memory_space<vmem>>, vector<1x16xf32>,
        %get3A_645 = vector.shape_cast %get3A_644 : vector<1x16xf32> to vector<16xf32>
        %add3A_646 = arith.addf %add3A_622, %get3A_645 : vector<16xf32>
        %get3A_647 = arith.index_cast %add3A_636 : i32 to index
        %get3A_648 = arith.constant 32 : index
        %get3A_649 = tpu.vector_load %arg12[%get3A_647, %get3A_648] {strides = array<i32>} : memref<50x64xf32, #tpu.memory_space<vmem>>, vector<1x16xf32>,
        %get3A_650 = vector.shape_cast %get3A_649 : vector<1x16xf32> to vector<16xf32>
        %add3A_651 = arith.addf %add3A_627, %get3A_650 : vector<16xf32>
        %get3A_652 = arith.index_cast %add3A_636 : i32 to index
        %get3A_653 = arith.constant 48 : index
        %get3A_654 = tpu.vector_load %arg12[%get3A_652, %get3A_653] {strides = array<i32>} : memref<50x64xf32, #tpu.memory_space<vmem>>, vector<1x16xf32>,
        %get3A_655 = vector.shape_cast %get3A_654 : vector<1x16xf32> to vector<16xf32>
        %add3A_656 = arith.addf %add3A_632, %get3A_655 : vector<16xf32>
        %mul3A_657 = arith.constant 5 : i32
        %mul3A_658 = arith.muli %scan3A_556, %mul3A_657 : i32
        %add3A_659 = arith.constant 4 : i32
        %add3A_660 = arith.addi %mul3A_658, %add3A_659 : i32
        %get3A_661 = arith.index_cast %add3A_660 : i32 to index
        %get3A_662 = arith.constant 0 : index
        %get3A_663 = tpu.vector_load %arg12[%get3A_661, %get3A_662] {strides = array<i32>} : memref<50x64xf32, #tpu.memory_space<vmem>>, vector<1x16xf32>,
        %get3A_664 = vector.shape_cast %get3A_663 : vector<1x16xf32> to vector<16xf32>
        %add3A_665 = arith.addf %add3A_641, %get3A_664 : vector<16xf32>
        %get3A_666 = arith.index_cast %add3A_660 : i32 to index
        %get3A_667 = arith.constant 16 : index
        %get3A_668 = tpu.vector_load %arg12[%get3A_666, %get3A_667] {strides = array<i32>} : memref<50x64xf32, #tpu.memory_space<vmem>>, vector<1x16xf32>,
        %get3A_669 = vector.shape_cast %get3A_668 : vector<1x16xf32> to vector<16xf32>
        %add3A_670 = arith.addf %add3A_646, %get3A_669 : vector<16xf32>
        %get3A_671 = arith.index_cast %add3A_660 : i32 to index
        %get3A_672 = arith.constant 32 : index
        %get3A_673 = tpu.vector_load %arg12[%get3A_671, %get3A_672] {strides = array<i32>} : memref<50x64xf32, #tpu.memory_space<vmem>>, vector<1x16xf32>,
        %get3A_674 = vector.shape_cast %get3A_673 : vector<1x16xf32> to vector<16xf32>
        %add3A_675 = arith.addf %add3A_651, %get3A_674 : vector<16xf32>
        %get3A_676 = arith.index_cast %add3A_660 : i32 to index
        %get3A_677 = arith.constant 48 : index
        %get3A_678 = tpu.vector_load %arg12[%get3A_676, %get3A_677] {strides = array<i32>} : memref<50x64xf32, #tpu.memory_space<vmem>>, vector<1x16xf32>,
        %get3A_679 = vector.shape_cast %get3A_678 : vector<1x16xf32> to vector<16xf32>
        %add3A_680 = arith.addf %add3A_656, %get3A_679 : vector<16xf32>
        scf.yield %add3A_665, %add3A_670, %add3A_675, %add3A_680 : vector<16xf32>, vector<16xf32>, vector<16xf32>, vector<16xf32>
      }
      %scan3A_272 = arith.constant 10 : i32
      %div3A_273 = vector.broadcast %squeeze3A_258 : f32 to vector<16xf32>
      %div3A_274 = arith.divf %scan3A_271#0, %div3A_273 : vector<16xf32>
      %swap3A_275 = arith.index_cast %add3A_247 : i32 to index
      %swap3A_276 = arith.constant 0 : index
      %swap3A_277 = tpu.vector_load %arg7[%swap3A_275, %swap3A_276] {strides = array<i32>} : memref<512x64xf32, #tpu.memory_space<vmem>>, vector<1x16xf32>,
      %swap3A_278 = vector.shape_cast %swap3A_277 : vector<1x16xf32> to vector<16xf32>
      %swap3A_279 = vector.shape_cast %div3A_274 : vector<16xf32> to vector<1x16xf32>
      tpu.vector_store %arg7[%swap3A_275, %swap3A_276], %swap3A_279 {strides = array<i32>} : memref<512x64xf32, #tpu.memory_space<vmem>>, vector<1x16xf32>,
      %div3A_280 = vector.broadcast %squeeze3A_258 : f32 to vector<16xf32>
      %div3A_281 = arith.divf %scan3A_271#1, %div3A_280 : vector<16xf32>
      %swap3A_282 = arith.index_cast %add3A_247 : i32 to index
      %swap3A_283 = arith.constant 16 : index
      %swap3A_284 = tpu.vector_load %arg7[%swap3A_282, %swap3A_283] {strides = array<i32>} : memref<512x64xf32, #tpu.memory_space<vmem>>, vector<1x16xf32>,
      %swap3A_285 = vector.shape_cast %swap3A_284 : vector<1x16xf32> to vector<16xf32>
      %swap3A_286 = vector.shape_cast %div3A_281 : vector<16xf32> to vector<1x16xf32>
      tpu.vector_store %arg7[%swap3A_282, %swap3A_283], %swap3A_286 {strides = array<i32>} : memref<512x64xf32, #tpu.memory_space<vmem>>, vector<1x16xf32>,
      %div3A_287 = vector.broadcast %squeeze3A_258 : f32 to vector<16xf32>
      %div3A_288 = arith.divf %scan3A_271#2, %div3A_287 : vector<16xf32>
      %swap3A_289 = arith.index_cast %add3A_247 : i32 to index
      %swap3A_290 = arith.constant 32 : index
      %swap3A_291 = tpu.vector_load %arg7[%swap3A_289, %swap3A_290] {strides = array<i32>} : memref<512x64xf32, #tpu.memory_space<vmem>>, vector<1x16xf32>,
      %swap3A_292 = vector.shape_cast %swap3A_291 : vector<1x16xf32> to vector<16xf32>
      %swap3A_293 = vector.shape_cast %div3A_288 : vector<16xf32> to vector<1x16xf32>
      tpu.vector_store %arg7[%swap3A_289, %swap3A_290], %swap3A_293 {strides = array<i32>} : memref<512x64xf32, #tpu.memory_space<vmem>>, vector<1x16xf32>,
      %div3A_294 = vector.broadcast %squeeze3A_258 : f32 to vector<16xf32>
      %div3A_295 = arith.divf %scan3A_271#3, %div3A_294 : vector<16xf32>
      %swap3A_296 = arith.index_cast %add3A_247 : i32 to index
      %swap3A_297 = arith.constant 48 : index
      %swap3A_298 = tpu.vector_load %arg7[%swap3A_296, %swap3A_297] {strides = array<i32>} : memref<512x64xf32, #tpu.memory_space<vmem>>, vector<1x16xf32>,
      %swap3A_299 = vector.shape_cast %swap3A_298 : vector<1x16xf32> to vector<16xf32>
      %swap3A_300 = vector.shape_cast %div3A_295 : vector<16xf32> to vector<1x16xf32>
      tpu.vector_store %arg7[%swap3A_296, %swap3A_297], %swap3A_300 {strides = array<i32>} : memref<512x64xf32, #tpu.memory_space<vmem>>, vector<1x16xf32>,
      %add3A_301 = arith.constant 8 : i32
      %add3A_302 = arith.addi %add3A_247, %add3A_301 : i32
      %lt3A_303 = arith.constant 512 : i32
      %lt3A_304 = arith.cmpi slt, %add3A_302, %lt3A_303 : i32
      %convert_element_type3A_305 = arith.extui %lt3A_304 : i1 to i32
      %cond3A_306 = arith.constant 0 : i32
      %cond3A_307 = arith.cmpi ne, %convert_element_type3A_305, %cond3A_306 : i32
      scf.if %cond3A_307 {
        %dma_start3A_556 = arith.constant 0 : i32
        %dma_start3A_557 = tpu.memref_slice %arg6[%add3A_302, %dma_start3A_556] : memref<512x50xi32, #tpu.memory_space<vmem>> -> memref<1x50xi32, #tpu.memory_space<vmem>>
        %dma_start3A_558 = tpu.memref_squeeze %dma_start3A_557 : memref<1x50xi32, #tpu.memory_space<vmem>> -> memref<50xi32, #tpu.memory_space<vmem>>
        %dma_start3A_559 = arith.constant 0 : i32
        %dma_start3A_560 = arith.constant 0 : i32
        %dma_start3A_561 = tpu.memref_slice %arg4[%dma_start3A_559, %dma_start3A_560] : memref<1000000x64xf32, #tpu.memory_space<hbm>> -> memref<1000000x64xf32, #tpu.memory_space<hbm>>
        tpu.enqueue_indirect_dma source(%dma_start3A_561 : memref<1000000x64xf32, #tpu.memory_space<hbm>>) target(%arg12 : memref<50x64xf32, #tpu.memory_space<vmem>>) offsets(%dma_start3A_558 : memref<50xi32, #tpu.memory_space<vmem>>) semaphore(%arg20 : memref<!tpu.dma_semaphore, #tpu.memory_space<semaphore_mem>>)
      } else {
      }
      %add3A_308 = arith.constant 4 : i32
      %add3A_309 = arith.addi %mul3A_69, %add3A_308 : i32
      %dma_wait3A_310 = arith.constant 0 : i32
      %dma_wait3A_311 = tpu.memref_slice %arg6[%add3A_309, %dma_wait3A_310] : memref<512x50xi32, #tpu.memory_space<vmem>> -> memref<1x50xi32, #tpu.memory_space<vmem>>
      %dma_wait3A_312 = tpu.memref_squeeze %dma_wait3A_311 : memref<1x50xi32, #tpu.memory_space<vmem>> -> memref<50xi32, #tpu.memory_space<vmem>>
      %dma_wait3A_313 = arith.constant 0 : i32
      %dma_wait3A_314 = arith.constant 0 : i32
      %dma_wait3A_315 = tpu.memref_slice %arg4[%dma_wait3A_313, %dma_wait3A_314] : memref<1000000x64xf32, #tpu.memory_space<hbm>> -> memref<1000000x64xf32, #tpu.memory_space<hbm>>
      tpu.wait_indirect_dma semaphore(%arg21 : memref<!tpu.dma_semaphore, #tpu.memory_space<semaphore_mem>>) src(%dma_wait3A_315 : memref<1000000x64xf32, #tpu.memory_space<hbm>>) dst(%arg13 : memref<50x64xf32, #tpu.memory_space<vmem>>)
      %get3A_316 = arith.index_cast %add3A_309 : i32 to index
      %get3A_317 = tpu.vector_load %arg8[%get3A_316] {strides = array<i32>} : memref<528xf32, #tpu.memory_space<vmem>>, vector<16xf32>,
      %get3A_318 = vector.shape_cast %get3A_317 : vector<16xf32> to vector<16xf32>
      %slice3A_319 = vector.extract_strided_slice %get3A_318 {offsets = [0], sizes = [1], strides = [1]} : vector<16xf32> to vector<1xf32>
      %squeeze3A_320 = vector.extract %slice3A_319[0] : f32 from vector<1xf32>
      %broadcast_in_dim3A_321 = arith.constant 0.000000e+00 : f32
      %broadcast_in_dim3A_322 = vector.broadcast %broadcast_in_dim3A_321 : f32 to vector<16xf32>
      %broadcast_in_dim3A_323 = arith.constant 0.000000e+00 : f32
      %broadcast_in_dim3A_324 = vector.broadcast %broadcast_in_dim3A_323 : f32 to vector<16xf32>
      %broadcast_in_dim3A_325 = arith.constant 0.000000e+00 : f32
      %broadcast_in_dim3A_326 = vector.broadcast %broadcast_in_dim3A_325 : f32 to vector<16xf32>
      %broadcast_in_dim3A_327 = arith.constant 0.000000e+00 : f32
      %broadcast_in_dim3A_328 = vector.broadcast %broadcast_in_dim3A_327 : f32 to vector<16xf32>
      %scan3A_329 = arith.constant 0 : i32
      %scan3A_330 = arith.constant 10 : i32
      %scan3A_331 = arith.addi %scan3A_329, %scan3A_330 : i32
      %scan3A_332 = arith.constant 1 : i32
      %scan3A_333:4 = scf.for %scan3A_556 = %scan3A_329 to %scan3A_331 step %scan3A_332 iter_args(%scan3A_557 = %broadcast_in_dim3A_322, %scan3A_558 = %broadcast_in_dim3A_324, %scan3A_559 = %broadcast_in_dim3A_326, %scan3A_560 = %broadcast_in_dim3A_328) -> (vector<16xf32>, vector<16xf32>, vector<16xf32>, vector<16xf32>)  : i32 {
        %mul3A_561 = arith.constant 5 : i32
        %mul3A_562 = arith.muli %scan3A_556, %mul3A_561 : i32
        %add3A_563 = arith.constant 0 : i32
        %add3A_564 = arith.addi %mul3A_562, %add3A_563 : i32
        %get3A_565 = arith.index_cast %add3A_564 : i32 to index
        %get3A_566 = arith.constant 0 : index
        %get3A_567 = tpu.vector_load %arg13[%get3A_565, %get3A_566] {strides = array<i32>} : memref<50x64xf32, #tpu.memory_space<vmem>>, vector<1x16xf32>,
        %get3A_568 = vector.shape_cast %get3A_567 : vector<1x16xf32> to vector<16xf32>
        %add3A_569 = arith.addf %scan3A_557, %get3A_568 : vector<16xf32>
        %get3A_570 = arith.index_cast %add3A_564 : i32 to index
        %get3A_571 = arith.constant 16 : index
        %get3A_572 = tpu.vector_load %arg13[%get3A_570, %get3A_571] {strides = array<i32>} : memref<50x64xf32, #tpu.memory_space<vmem>>, vector<1x16xf32>,
        %get3A_573 = vector.shape_cast %get3A_572 : vector<1x16xf32> to vector<16xf32>
        %add3A_574 = arith.addf %scan3A_558, %get3A_573 : vector<16xf32>
        %get3A_575 = arith.index_cast %add3A_564 : i32 to index
        %get3A_576 = arith.constant 32 : index
        %get3A_577 = tpu.vector_load %arg13[%get3A_575, %get3A_576] {strides = array<i32>} : memref<50x64xf32, #tpu.memory_space<vmem>>, vector<1x16xf32>,
        %get3A_578 = vector.shape_cast %get3A_577 : vector<1x16xf32> to vector<16xf32>
        %add3A_579 = arith.addf %scan3A_559, %get3A_578 : vector<16xf32>
        %get3A_580 = arith.index_cast %add3A_564 : i32 to index
        %get3A_581 = arith.constant 48 : index
        %get3A_582 = tpu.vector_load %arg13[%get3A_580, %get3A_581] {strides = array<i32>} : memref<50x64xf32, #tpu.memory_space<vmem>>, vector<1x16xf32>,
        %get3A_583 = vector.shape_cast %get3A_582 : vector<1x16xf32> to vector<16xf32>
        %add3A_584 = arith.addf %scan3A_560, %get3A_583 : vector<16xf32>
        %mul3A_585 = arith.constant 5 : i32
        %mul3A_586 = arith.muli %scan3A_556, %mul3A_585 : i32
        %add3A_587 = arith.constant 1 : i32
        %add3A_588 = arith.addi %mul3A_586, %add3A_587 : i32
        %get3A_589 = arith.index_cast %add3A_588 : i32 to index
        %get3A_590 = arith.constant 0 : index
        %get3A_591 = tpu.vector_load %arg13[%get3A_589, %get3A_590] {strides = array<i32>} : memref<50x64xf32, #tpu.memory_space<vmem>>, vector<1x16xf32>,
        %get3A_592 = vector.shape_cast %get3A_591 : vector<1x16xf32> to vector<16xf32>
        %add3A_593 = arith.addf %add3A_569, %get3A_592 : vector<16xf32>
        %get3A_594 = arith.index_cast %add3A_588 : i32 to index
        %get3A_595 = arith.constant 16 : index
        %get3A_596 = tpu.vector_load %arg13[%get3A_594, %get3A_595] {strides = array<i32>} : memref<50x64xf32, #tpu.memory_space<vmem>>, vector<1x16xf32>,
        %get3A_597 = vector.shape_cast %get3A_596 : vector<1x16xf32> to vector<16xf32>
        %add3A_598 = arith.addf %add3A_574, %get3A_597 : vector<16xf32>
        %get3A_599 = arith.index_cast %add3A_588 : i32 to index
        %get3A_600 = arith.constant 32 : index
        %get3A_601 = tpu.vector_load %arg13[%get3A_599, %get3A_600] {strides = array<i32>} : memref<50x64xf32, #tpu.memory_space<vmem>>, vector<1x16xf32>,
        %get3A_602 = vector.shape_cast %get3A_601 : vector<1x16xf32> to vector<16xf32>
        %add3A_603 = arith.addf %add3A_579, %get3A_602 : vector<16xf32>
        %get3A_604 = arith.index_cast %add3A_588 : i32 to index
        %get3A_605 = arith.constant 48 : index
        %get3A_606 = tpu.vector_load %arg13[%get3A_604, %get3A_605] {strides = array<i32>} : memref<50x64xf32, #tpu.memory_space<vmem>>, vector<1x16xf32>,
        %get3A_607 = vector.shape_cast %get3A_606 : vector<1x16xf32> to vector<16xf32>
        %add3A_608 = arith.addf %add3A_584, %get3A_607 : vector<16xf32>
        %mul3A_609 = arith.constant 5 : i32
        %mul3A_610 = arith.muli %scan3A_556, %mul3A_609 : i32
        %add3A_611 = arith.constant 2 : i32
        %add3A_612 = arith.addi %mul3A_610, %add3A_611 : i32
        %get3A_613 = arith.index_cast %add3A_612 : i32 to index
        %get3A_614 = arith.constant 0 : index
        %get3A_615 = tpu.vector_load %arg13[%get3A_613, %get3A_614] {strides = array<i32>} : memref<50x64xf32, #tpu.memory_space<vmem>>, vector<1x16xf32>,
        %get3A_616 = vector.shape_cast %get3A_615 : vector<1x16xf32> to vector<16xf32>
        %add3A_617 = arith.addf %add3A_593, %get3A_616 : vector<16xf32>
        %get3A_618 = arith.index_cast %add3A_612 : i32 to index
        %get3A_619 = arith.constant 16 : index
        %get3A_620 = tpu.vector_load %arg13[%get3A_618, %get3A_619] {strides = array<i32>} : memref<50x64xf32, #tpu.memory_space<vmem>>, vector<1x16xf32>,
        %get3A_621 = vector.shape_cast %get3A_620 : vector<1x16xf32> to vector<16xf32>
        %add3A_622 = arith.addf %add3A_598, %get3A_621 : vector<16xf32>
        %get3A_623 = arith.index_cast %add3A_612 : i32 to index
        %get3A_624 = arith.constant 32 : index
        %get3A_625 = tpu.vector_load %arg13[%get3A_623, %get3A_624] {strides = array<i32>} : memref<50x64xf32, #tpu.memory_space<vmem>>, vector<1x16xf32>,
        %get3A_626 = vector.shape_cast %get3A_625 : vector<1x16xf32> to vector<16xf32>
        %add3A_627 = arith.addf %add3A_603, %get3A_626 : vector<16xf32>
        %get3A_628 = arith.index_cast %add3A_612 : i32 to index
        %get3A_629 = arith.constant 48 : index
        %get3A_630 = tpu.vector_load %arg13[%get3A_628, %get3A_629] {strides = array<i32>} : memref<50x64xf32, #tpu.memory_space<vmem>>, vector<1x16xf32>,
        %get3A_631 = vector.shape_cast %get3A_630 : vector<1x16xf32> to vector<16xf32>
        %add3A_632 = arith.addf %add3A_608, %get3A_631 : vector<16xf32>
        %mul3A_633 = arith.constant 5 : i32
        %mul3A_634 = arith.muli %scan3A_556, %mul3A_633 : i32
        %add3A_635 = arith.constant 3 : i32
        %add3A_636 = arith.addi %mul3A_634, %add3A_635 : i32
        %get3A_637 = arith.index_cast %add3A_636 : i32 to index
        %get3A_638 = arith.constant 0 : index
        %get3A_639 = tpu.vector_load %arg13[%get3A_637, %get3A_638] {strides = array<i32>} : memref<50x64xf32, #tpu.memory_space<vmem>>, vector<1x16xf32>,
        %get3A_640 = vector.shape_cast %get3A_639 : vector<1x16xf32> to vector<16xf32>
        %add3A_641 = arith.addf %add3A_617, %get3A_640 : vector<16xf32>
        %get3A_642 = arith.index_cast %add3A_636 : i32 to index
        %get3A_643 = arith.constant 16 : index
        %get3A_644 = tpu.vector_load %arg13[%get3A_642, %get3A_643] {strides = array<i32>} : memref<50x64xf32, #tpu.memory_space<vmem>>, vector<1x16xf32>,
        %get3A_645 = vector.shape_cast %get3A_644 : vector<1x16xf32> to vector<16xf32>
        %add3A_646 = arith.addf %add3A_622, %get3A_645 : vector<16xf32>
        %get3A_647 = arith.index_cast %add3A_636 : i32 to index
        %get3A_648 = arith.constant 32 : index
        %get3A_649 = tpu.vector_load %arg13[%get3A_647, %get3A_648] {strides = array<i32>} : memref<50x64xf32, #tpu.memory_space<vmem>>, vector<1x16xf32>,
        %get3A_650 = vector.shape_cast %get3A_649 : vector<1x16xf32> to vector<16xf32>
        %add3A_651 = arith.addf %add3A_627, %get3A_650 : vector<16xf32>
        %get3A_652 = arith.index_cast %add3A_636 : i32 to index
        %get3A_653 = arith.constant 48 : index
        %get3A_654 = tpu.vector_load %arg13[%get3A_652, %get3A_653] {strides = array<i32>} : memref<50x64xf32, #tpu.memory_space<vmem>>, vector<1x16xf32>,
        %get3A_655 = vector.shape_cast %get3A_654 : vector<1x16xf32> to vector<16xf32>
        %add3A_656 = arith.addf %add3A_632, %get3A_655 : vector<16xf32>
        %mul3A_657 = arith.constant 5 : i32
        %mul3A_658 = arith.muli %scan3A_556, %mul3A_657 : i32
        %add3A_659 = arith.constant 4 : i32
        %add3A_660 = arith.addi %mul3A_658, %add3A_659 : i32
        %get3A_661 = arith.index_cast %add3A_660 : i32 to index
        %get3A_662 = arith.constant 0 : index
        %get3A_663 = tpu.vector_load %arg13[%get3A_661, %get3A_662] {strides = array<i32>} : memref<50x64xf32, #tpu.memory_space<vmem>>, vector<1x16xf32>,
        %get3A_664 = vector.shape_cast %get3A_663 : vector<1x16xf32> to vector<16xf32>
        %add3A_665 = arith.addf %add3A_641, %get3A_664 : vector<16xf32>
        %get3A_666 = arith.index_cast %add3A_660 : i32 to index
        %get3A_667 = arith.constant 16 : index
        %get3A_668 = tpu.vector_load %arg13[%get3A_666, %get3A_667] {strides = array<i32>} : memref<50x64xf32, #tpu.memory_space<vmem>>, vector<1x16xf32>,
        %get3A_669 = vector.shape_cast %get3A_668 : vector<1x16xf32> to vector<16xf32>
        %add3A_670 = arith.addf %add3A_646, %get3A_669 : vector<16xf32>
        %get3A_671 = arith.index_cast %add3A_660 : i32 to index
        %get3A_672 = arith.constant 32 : index
        %get3A_673 = tpu.vector_load %arg13[%get3A_671, %get3A_672] {strides = array<i32>} : memref<50x64xf32, #tpu.memory_space<vmem>>, vector<1x16xf32>,
        %get3A_674 = vector.shape_cast %get3A_673 : vector<1x16xf32> to vector<16xf32>
        %add3A_675 = arith.addf %add3A_651, %get3A_674 : vector<16xf32>
        %get3A_676 = arith.index_cast %add3A_660 : i32 to index
        %get3A_677 = arith.constant 48 : index
        %get3A_678 = tpu.vector_load %arg13[%get3A_676, %get3A_677] {strides = array<i32>} : memref<50x64xf32, #tpu.memory_space<vmem>>, vector<1x16xf32>,
        %get3A_679 = vector.shape_cast %get3A_678 : vector<1x16xf32> to vector<16xf32>
        %add3A_680 = arith.addf %add3A_656, %get3A_679 : vector<16xf32>
        scf.yield %add3A_665, %add3A_670, %add3A_675, %add3A_680 : vector<16xf32>, vector<16xf32>, vector<16xf32>, vector<16xf32>
      }
      %scan3A_334 = arith.constant 10 : i32
      %div3A_335 = vector.broadcast %squeeze3A_320 : f32 to vector<16xf32>
      %div3A_336 = arith.divf %scan3A_333#0, %div3A_335 : vector<16xf32>
      %swap3A_337 = arith.index_cast %add3A_309 : i32 to index
      %swap3A_338 = arith.constant 0 : index
      %swap3A_339 = tpu.vector_load %arg7[%swap3A_337, %swap3A_338] {strides = array<i32>} : memref<512x64xf32, #tpu.memory_space<vmem>>, vector<1x16xf32>,
      %swap3A_340 = vector.shape_cast %swap3A_339 : vector<1x16xf32> to vector<16xf32>
      %swap3A_341 = vector.shape_cast %div3A_336 : vector<16xf32> to vector<1x16xf32>
      tpu.vector_store %arg7[%swap3A_337, %swap3A_338], %swap3A_341 {strides = array<i32>} : memref<512x64xf32, #tpu.memory_space<vmem>>, vector<1x16xf32>,
      %div3A_342 = vector.broadcast %squeeze3A_320 : f32 to vector<16xf32>
      %div3A_343 = arith.divf %scan3A_333#1, %div3A_342 : vector<16xf32>
      %swap3A_344 = arith.index_cast %add3A_309 : i32 to index
      %swap3A_345 = arith.constant 16 : index
      %swap3A_346 = tpu.vector_load %arg7[%swap3A_344, %swap3A_345] {strides = array<i32>} : memref<512x64xf32, #tpu.memory_space<vmem>>, vector<1x16xf32>,
      %swap3A_347 = vector.shape_cast %swap3A_346 : vector<1x16xf32> to vector<16xf32>
      %swap3A_348 = vector.shape_cast %div3A_343 : vector<16xf32> to vector<1x16xf32>
      tpu.vector_store %arg7[%swap3A_344, %swap3A_345], %swap3A_348 {strides = array<i32>} : memref<512x64xf32, #tpu.memory_space<vmem>>, vector<1x16xf32>,
      %div3A_349 = vector.broadcast %squeeze3A_320 : f32 to vector<16xf32>
      %div3A_350 = arith.divf %scan3A_333#2, %div3A_349 : vector<16xf32>
      %swap3A_351 = arith.index_cast %add3A_309 : i32 to index
      %swap3A_352 = arith.constant 32 : index
      %swap3A_353 = tpu.vector_load %arg7[%swap3A_351, %swap3A_352] {strides = array<i32>} : memref<512x64xf32, #tpu.memory_space<vmem>>, vector<1x16xf32>,
      %swap3A_354 = vector.shape_cast %swap3A_353 : vector<1x16xf32> to vector<16xf32>
      %swap3A_355 = vector.shape_cast %div3A_350 : vector<16xf32> to vector<1x16xf32>
      tpu.vector_store %arg7[%swap3A_351, %swap3A_352], %swap3A_355 {strides = array<i32>} : memref<512x64xf32, #tpu.memory_space<vmem>>, vector<1x16xf32>,
      %div3A_356 = vector.broadcast %squeeze3A_320 : f32 to vector<16xf32>
      %div3A_357 = arith.divf %scan3A_333#3, %div3A_356 : vector<16xf32>
      %swap3A_358 = arith.index_cast %add3A_309 : i32 to index
      %swap3A_359 = arith.constant 48 : index
      %swap3A_360 = tpu.vector_load %arg7[%swap3A_358, %swap3A_359] {strides = array<i32>} : memref<512x64xf32, #tpu.memory_space<vmem>>, vector<1x16xf32>,
      %swap3A_361 = vector.shape_cast %swap3A_360 : vector<1x16xf32> to vector<16xf32>
      %swap3A_362 = vector.shape_cast %div3A_357 : vector<16xf32> to vector<1x16xf32>
      tpu.vector_store %arg7[%swap3A_358, %swap3A_359], %swap3A_362 {strides = array<i32>} : memref<512x64xf32, #tpu.memory_space<vmem>>, vector<1x16xf32>,
      %add3A_363 = arith.constant 8 : i32
      %add3A_364 = arith.addi %add3A_309, %add3A_363 : i32
      %lt3A_365 = arith.constant 512 : i32
      %lt3A_366 = arith.cmpi slt, %add3A_364, %lt3A_365 : i32
      %convert_element_type3A_367 = arith.extui %lt3A_366 : i1 to i32
      %cond3A_368 = arith.constant 0 : i32
      %cond3A_369 = arith.cmpi ne, %convert_element_type3A_367, %cond3A_368 : i32
      scf.if %cond3A_369 {
        %dma_start3A_556 = arith.constant 0 : i32
        %dma_start3A_557 = tpu.memref_slice %arg6[%add3A_364, %dma_start3A_556] : memref<512x50xi32, #tpu.memory_space<vmem>> -> memref<1x50xi32, #tpu.memory_space<vmem>>
        %dma_start3A_558 = tpu.memref_squeeze %dma_start3A_557 : memref<1x50xi32, #tpu.memory_space<vmem>> -> memref<50xi32, #tpu.memory_space<vmem>>
        %dma_start3A_559 = arith.constant 0 : i32
        %dma_start3A_560 = arith.constant 0 : i32
        %dma_start3A_561 = tpu.memref_slice %arg4[%dma_start3A_559, %dma_start3A_560] : memref<1000000x64xf32, #tpu.memory_space<hbm>> -> memref<1000000x64xf32, #tpu.memory_space<hbm>>
        tpu.enqueue_indirect_dma source(%dma_start3A_561 : memref<1000000x64xf32, #tpu.memory_space<hbm>>) target(%arg13 : memref<50x64xf32, #tpu.memory_space<vmem>>) offsets(%dma_start3A_558 : memref<50xi32, #tpu.memory_space<vmem>>) semaphore(%arg21 : memref<!tpu.dma_semaphore, #tpu.memory_space<semaphore_mem>>)
      } else {
      }
      %add3A_370 = arith.constant 5 : i32
      %add3A_371 = arith.addi %mul3A_69, %add3A_370 : i32
      %dma_wait3A_372 = arith.constant 0 : i32
      %dma_wait3A_373 = tpu.memref_slice %arg6[%add3A_371, %dma_wait3A_372] : memref<512x50xi32, #tpu.memory_space<vmem>> -> memref<1x50xi32, #tpu.memory_space<vmem>>
      %dma_wait3A_374 = tpu.memref_squeeze %dma_wait3A_373 : memref<1x50xi32, #tpu.memory_space<vmem>> -> memref<50xi32, #tpu.memory_space<vmem>>
      %dma_wait3A_375 = arith.constant 0 : i32
      %dma_wait3A_376 = arith.constant 0 : i32
      %dma_wait3A_377 = tpu.memref_slice %arg4[%dma_wait3A_375, %dma_wait3A_376] : memref<1000000x64xf32, #tpu.memory_space<hbm>> -> memref<1000000x64xf32, #tpu.memory_space<hbm>>
      tpu.wait_indirect_dma semaphore(%arg22 : memref<!tpu.dma_semaphore, #tpu.memory_space<semaphore_mem>>) src(%dma_wait3A_377 : memref<1000000x64xf32, #tpu.memory_space<hbm>>) dst(%arg14 : memref<50x64xf32, #tpu.memory_space<vmem>>)
      %get3A_378 = arith.index_cast %add3A_371 : i32 to index
      %get3A_379 = tpu.vector_load %arg8[%get3A_378] {strides = array<i32>} : memref<528xf32, #tpu.memory_space<vmem>>, vector<16xf32>,
      %get3A_380 = vector.shape_cast %get3A_379 : vector<16xf32> to vector<16xf32>
      %slice3A_381 = vector.extract_strided_slice %get3A_380 {offsets = [0], sizes = [1], strides = [1]} : vector<16xf32> to vector<1xf32>
      %squeeze3A_382 = vector.extract %slice3A_381[0] : f32 from vector<1xf32>
      %broadcast_in_dim3A_383 = arith.constant 0.000000e+00 : f32
      %broadcast_in_dim3A_384 = vector.broadcast %broadcast_in_dim3A_383 : f32 to vector<16xf32>
      %broadcast_in_dim3A_385 = arith.constant 0.000000e+00 : f32
      %broadcast_in_dim3A_386 = vector.broadcast %broadcast_in_dim3A_385 : f32 to vector<16xf32>
      %broadcast_in_dim3A_387 = arith.constant 0.000000e+00 : f32
      %broadcast_in_dim3A_388 = vector.broadcast %broadcast_in_dim3A_387 : f32 to vector<16xf32>
      %broadcast_in_dim3A_389 = arith.constant 0.000000e+00 : f32
      %broadcast_in_dim3A_390 = vector.broadcast %broadcast_in_dim3A_389 : f32 to vector<16xf32>
      %scan3A_391 = arith.constant 0 : i32
      %scan3A_392 = arith.constant 10 : i32
      %scan3A_393 = arith.addi %scan3A_391, %scan3A_392 : i32
      %scan3A_394 = arith.constant 1 : i32
      %scan3A_395:4 = scf.for %scan3A_556 = %scan3A_391 to %scan3A_393 step %scan3A_394 iter_args(%scan3A_557 = %broadcast_in_dim3A_384, %scan3A_558 = %broadcast_in_dim3A_386, %scan3A_559 = %broadcast_in_dim3A_388, %scan3A_560 = %broadcast_in_dim3A_390) -> (vector<16xf32>, vector<16xf32>, vector<16xf32>, vector<16xf32>)  : i32 {
        %mul3A_561 = arith.constant 5 : i32
        %mul3A_562 = arith.muli %scan3A_556, %mul3A_561 : i32
        %add3A_563 = arith.constant 0 : i32
        %add3A_564 = arith.addi %mul3A_562, %add3A_563 : i32
        %get3A_565 = arith.index_cast %add3A_564 : i32 to index
        %get3A_566 = arith.constant 0 : index
        %get3A_567 = tpu.vector_load %arg14[%get3A_565, %get3A_566] {strides = array<i32>} : memref<50x64xf32, #tpu.memory_space<vmem>>, vector<1x16xf32>,
        %get3A_568 = vector.shape_cast %get3A_567 : vector<1x16xf32> to vector<16xf32>
        %add3A_569 = arith.addf %scan3A_557, %get3A_568 : vector<16xf32>
        %get3A_570 = arith.index_cast %add3A_564 : i32 to index
        %get3A_571 = arith.constant 16 : index
        %get3A_572 = tpu.vector_load %arg14[%get3A_570, %get3A_571] {strides = array<i32>} : memref<50x64xf32, #tpu.memory_space<vmem>>, vector<1x16xf32>,
        %get3A_573 = vector.shape_cast %get3A_572 : vector<1x16xf32> to vector<16xf32>
        %add3A_574 = arith.addf %scan3A_558, %get3A_573 : vector<16xf32>
        %get3A_575 = arith.index_cast %add3A_564 : i32 to index
        %get3A_576 = arith.constant 32 : index
        %get3A_577 = tpu.vector_load %arg14[%get3A_575, %get3A_576] {strides = array<i32>} : memref<50x64xf32, #tpu.memory_space<vmem>>, vector<1x16xf32>,
        %get3A_578 = vector.shape_cast %get3A_577 : vector<1x16xf32> to vector<16xf32>
        %add3A_579 = arith.addf %scan3A_559, %get3A_578 : vector<16xf32>
        %get3A_580 = arith.index_cast %add3A_564 : i32 to index
        %get3A_581 = arith.constant 48 : index
        %get3A_582 = tpu.vector_load %arg14[%get3A_580, %get3A_581] {strides = array<i32>} : memref<50x64xf32, #tpu.memory_space<vmem>>, vector<1x16xf32>,
        %get3A_583 = vector.shape_cast %get3A_582 : vector<1x16xf32> to vector<16xf32>
        %add3A_584 = arith.addf %scan3A_560, %get3A_583 : vector<16xf32>
        %mul3A_585 = arith.constant 5 : i32
        %mul3A_586 = arith.muli %scan3A_556, %mul3A_585 : i32
        %add3A_587 = arith.constant 1 : i32
        %add3A_588 = arith.addi %mul3A_586, %add3A_587 : i32
        %get3A_589 = arith.index_cast %add3A_588 : i32 to index
        %get3A_590 = arith.constant 0 : index
        %get3A_591 = tpu.vector_load %arg14[%get3A_589, %get3A_590] {strides = array<i32>} : memref<50x64xf32, #tpu.memory_space<vmem>>, vector<1x16xf32>,
        %get3A_592 = vector.shape_cast %get3A_591 : vector<1x16xf32> to vector<16xf32>
        %add3A_593 = arith.addf %add3A_569, %get3A_592 : vector<16xf32>
        %get3A_594 = arith.index_cast %add3A_588 : i32 to index
        %get3A_595 = arith.constant 16 : index
        %get3A_596 = tpu.vector_load %arg14[%get3A_594, %get3A_595] {strides = array<i32>} : memref<50x64xf32, #tpu.memory_space<vmem>>, vector<1x16xf32>,
        %get3A_597 = vector.shape_cast %get3A_596 : vector<1x16xf32> to vector<16xf32>
        %add3A_598 = arith.addf %add3A_574, %get3A_597 : vector<16xf32>
        %get3A_599 = arith.index_cast %add3A_588 : i32 to index
        %get3A_600 = arith.constant 32 : index
        %get3A_601 = tpu.vector_load %arg14[%get3A_599, %get3A_600] {strides = array<i32>} : memref<50x64xf32, #tpu.memory_space<vmem>>, vector<1x16xf32>,
        %get3A_602 = vector.shape_cast %get3A_601 : vector<1x16xf32> to vector<16xf32>
        %add3A_603 = arith.addf %add3A_579, %get3A_602 : vector<16xf32>
        %get3A_604 = arith.index_cast %add3A_588 : i32 to index
        %get3A_605 = arith.constant 48 : index
        %get3A_606 = tpu.vector_load %arg14[%get3A_604, %get3A_605] {strides = array<i32>} : memref<50x64xf32, #tpu.memory_space<vmem>>, vector<1x16xf32>,
        %get3A_607 = vector.shape_cast %get3A_606 : vector<1x16xf32> to vector<16xf32>
        %add3A_608 = arith.addf %add3A_584, %get3A_607 : vector<16xf32>
        %mul3A_609 = arith.constant 5 : i32
        %mul3A_610 = arith.muli %scan3A_556, %mul3A_609 : i32
        %add3A_611 = arith.constant 2 : i32
        %add3A_612 = arith.addi %mul3A_610, %add3A_611 : i32
        %get3A_613 = arith.index_cast %add3A_612 : i32 to index
        %get3A_614 = arith.constant 0 : index
        %get3A_615 = tpu.vector_load %arg14[%get3A_613, %get3A_614] {strides = array<i32>} : memref<50x64xf32, #tpu.memory_space<vmem>>, vector<1x16xf32>,
        %get3A_616 = vector.shape_cast %get3A_615 : vector<1x16xf32> to vector<16xf32>
        %add3A_617 = arith.addf %add3A_593, %get3A_616 : vector<16xf32>
        %get3A_618 = arith.index_cast %add3A_612 : i32 to index
        %get3A_619 = arith.constant 16 : index
        %get3A_620 = tpu.vector_load %arg14[%get3A_618, %get3A_619] {strides = array<i32>} : memref<50x64xf32, #tpu.memory_space<vmem>>, vector<1x16xf32>,
        %get3A_621 = vector.shape_cast %get3A_620 : vector<1x16xf32> to vector<16xf32>
        %add3A_622 = arith.addf %add3A_598, %get3A_621 : vector<16xf32>
        %get3A_623 = arith.index_cast %add3A_612 : i32 to index
        %get3A_624 = arith.constant 32 : index
        %get3A_625 = tpu.vector_load %arg14[%get3A_623, %get3A_624] {strides = array<i32>} : memref<50x64xf32, #tpu.memory_space<vmem>>, vector<1x16xf32>,
        %get3A_626 = vector.shape_cast %get3A_625 : vector<1x16xf32> to vector<16xf32>
        %add3A_627 = arith.addf %add3A_603, %get3A_626 : vector<16xf32>
        %get3A_628 = arith.index_cast %add3A_612 : i32 to index
        %get3A_629 = arith.constant 48 : index
        %get3A_630 = tpu.vector_load %arg14[%get3A_628, %get3A_629] {strides = array<i32>} : memref<50x64xf32, #tpu.memory_space<vmem>>, vector<1x16xf32>,
        %get3A_631 = vector.shape_cast %get3A_630 : vector<1x16xf32> to vector<16xf32>
        %add3A_632 = arith.addf %add3A_608, %get3A_631 : vector<16xf32>
        %mul3A_633 = arith.constant 5 : i32
        %mul3A_634 = arith.muli %scan3A_556, %mul3A_633 : i32
        %add3A_635 = arith.constant 3 : i32
        %add3A_636 = arith.addi %mul3A_634, %add3A_635 : i32
        %get3A_637 = arith.index_cast %add3A_636 : i32 to index
        %get3A_638 = arith.constant 0 : index
        %get3A_639 = tpu.vector_load %arg14[%get3A_637, %get3A_638] {strides = array<i32>} : memref<50x64xf32, #tpu.memory_space<vmem>>, vector<1x16xf32>,
        %get3A_640 = vector.shape_cast %get3A_639 : vector<1x16xf32> to vector<16xf32>
        %add3A_641 = arith.addf %add3A_617, %get3A_640 : vector<16xf32>
        %get3A_642 = arith.index_cast %add3A_636 : i32 to index
        %get3A_643 = arith.constant 16 : index
        %get3A_644 = tpu.vector_load %arg14[%get3A_642, %get3A_643] {strides = array<i32>} : memref<50x64xf32, #tpu.memory_space<vmem>>, vector<1x16xf32>,
        %get3A_645 = vector.shape_cast %get3A_644 : vector<1x16xf32> to vector<16xf32>
        %add3A_646 = arith.addf %add3A_622, %get3A_645 : vector<16xf32>
        %get3A_647 = arith.index_cast %add3A_636 : i32 to index
        %get3A_648 = arith.constant 32 : index
        %get3A_649 = tpu.vector_load %arg14[%get3A_647, %get3A_648] {strides = array<i32>} : memref<50x64xf32, #tpu.memory_space<vmem>>, vector<1x16xf32>,
        %get3A_650 = vector.shape_cast %get3A_649 : vector<1x16xf32> to vector<16xf32>
        %add3A_651 = arith.addf %add3A_627, %get3A_650 : vector<16xf32>
        %get3A_652 = arith.index_cast %add3A_636 : i32 to index
        %get3A_653 = arith.constant 48 : index
        %get3A_654 = tpu.vector_load %arg14[%get3A_652, %get3A_653] {strides = array<i32>} : memref<50x64xf32, #tpu.memory_space<vmem>>, vector<1x16xf32>,
        %get3A_655 = vector.shape_cast %get3A_654 : vector<1x16xf32> to vector<16xf32>
        %add3A_656 = arith.addf %add3A_632, %get3A_655 : vector<16xf32>
        %mul3A_657 = arith.constant 5 : i32
        %mul3A_658 = arith.muli %scan3A_556, %mul3A_657 : i32
        %add3A_659 = arith.constant 4 : i32
        %add3A_660 = arith.addi %mul3A_658, %add3A_659 : i32
        %get3A_661 = arith.index_cast %add3A_660 : i32 to index
        %get3A_662 = arith.constant 0 : index
        %get3A_663 = tpu.vector_load %arg14[%get3A_661, %get3A_662] {strides = array<i32>} : memref<50x64xf32, #tpu.memory_space<vmem>>, vector<1x16xf32>,
        %get3A_664 = vector.shape_cast %get3A_663 : vector<1x16xf32> to vector<16xf32>
        %add3A_665 = arith.addf %add3A_641, %get3A_664 : vector<16xf32>
        %get3A_666 = arith.index_cast %add3A_660 : i32 to index
        %get3A_667 = arith.constant 16 : index
        %get3A_668 = tpu.vector_load %arg14[%get3A_666, %get3A_667] {strides = array<i32>} : memref<50x64xf32, #tpu.memory_space<vmem>>, vector<1x16xf32>,
        %get3A_669 = vector.shape_cast %get3A_668 : vector<1x16xf32> to vector<16xf32>
        %add3A_670 = arith.addf %add3A_646, %get3A_669 : vector<16xf32>
        %get3A_671 = arith.index_cast %add3A_660 : i32 to index
        %get3A_672 = arith.constant 32 : index
        %get3A_673 = tpu.vector_load %arg14[%get3A_671, %get3A_672] {strides = array<i32>} : memref<50x64xf32, #tpu.memory_space<vmem>>, vector<1x16xf32>,
        %get3A_674 = vector.shape_cast %get3A_673 : vector<1x16xf32> to vector<16xf32>
        %add3A_675 = arith.addf %add3A_651, %get3A_674 : vector<16xf32>
        %get3A_676 = arith.index_cast %add3A_660 : i32 to index
        %get3A_677 = arith.constant 48 : index
        %get3A_678 = tpu.vector_load %arg14[%get3A_676, %get3A_677] {strides = array<i32>} : memref<50x64xf32, #tpu.memory_space<vmem>>, vector<1x16xf32>,
        %get3A_679 = vector.shape_cast %get3A_678 : vector<1x16xf32> to vector<16xf32>
        %add3A_680 = arith.addf %add3A_656, %get3A_679 : vector<16xf32>
        scf.yield %add3A_665, %add3A_670, %add3A_675, %add3A_680 : vector<16xf32>, vector<16xf32>, vector<16xf32>, vector<16xf32>
      }
      %scan3A_396 = arith.constant 10 : i32
      %div3A_397 = vector.broadcast %squeeze3A_382 : f32 to vector<16xf32>
      %div3A_398 = arith.divf %scan3A_395#0, %div3A_397 : vector<16xf32>
      %swap3A_399 = arith.index_cast %add3A_371 : i32 to index
      %swap3A_400 = arith.constant 0 : index
      %swap3A_401 = tpu.vector_load %arg7[%swap3A_399, %swap3A_400] {strides = array<i32>} : memref<512x64xf32, #tpu.memory_space<vmem>>, vector<1x16xf32>,
      %swap3A_402 = vector.shape_cast %swap3A_401 : vector<1x16xf32> to vector<16xf32>
      %swap3A_403 = vector.shape_cast %div3A_398 : vector<16xf32> to vector<1x16xf32>
      tpu.vector_store %arg7[%swap3A_399, %swap3A_400], %swap3A_403 {strides = array<i32>} : memref<512x64xf32, #tpu.memory_space<vmem>>, vector<1x16xf32>,
      %div3A_404 = vector.broadcast %squeeze3A_382 : f32 to vector<16xf32>
      %div3A_405 = arith.divf %scan3A_395#1, %div3A_404 : vector<16xf32>
      %swap3A_406 = arith.index_cast %add3A_371 : i32 to index
      %swap3A_407 = arith.constant 16 : index
      %swap3A_408 = tpu.vector_load %arg7[%swap3A_406, %swap3A_407] {strides = array<i32>} : memref<512x64xf32, #tpu.memory_space<vmem>>, vector<1x16xf32>,
      %swap3A_409 = vector.shape_cast %swap3A_408 : vector<1x16xf32> to vector<16xf32>
      %swap3A_410 = vector.shape_cast %div3A_405 : vector<16xf32> to vector<1x16xf32>
      tpu.vector_store %arg7[%swap3A_406, %swap3A_407], %swap3A_410 {strides = array<i32>} : memref<512x64xf32, #tpu.memory_space<vmem>>, vector<1x16xf32>,
      %div3A_411 = vector.broadcast %squeeze3A_382 : f32 to vector<16xf32>
      %div3A_412 = arith.divf %scan3A_395#2, %div3A_411 : vector<16xf32>
      %swap3A_413 = arith.index_cast %add3A_371 : i32 to index
      %swap3A_414 = arith.constant 32 : index
      %swap3A_415 = tpu.vector_load %arg7[%swap3A_413, %swap3A_414] {strides = array<i32>} : memref<512x64xf32, #tpu.memory_space<vmem>>, vector<1x16xf32>,
      %swap3A_416 = vector.shape_cast %swap3A_415 : vector<1x16xf32> to vector<16xf32>
      %swap3A_417 = vector.shape_cast %div3A_412 : vector<16xf32> to vector<1x16xf32>
      tpu.vector_store %arg7[%swap3A_413, %swap3A_414], %swap3A_417 {strides = array<i32>} : memref<512x64xf32, #tpu.memory_space<vmem>>, vector<1x16xf32>,
      %div3A_418 = vector.broadcast %squeeze3A_382 : f32 to vector<16xf32>
      %div3A_419 = arith.divf %scan3A_395#3, %div3A_418 : vector<16xf32>
      %swap3A_420 = arith.index_cast %add3A_371 : i32 to index
      %swap3A_421 = arith.constant 48 : index
      %swap3A_422 = tpu.vector_load %arg7[%swap3A_420, %swap3A_421] {strides = array<i32>} : memref<512x64xf32, #tpu.memory_space<vmem>>, vector<1x16xf32>,
      %swap3A_423 = vector.shape_cast %swap3A_422 : vector<1x16xf32> to vector<16xf32>
      %swap3A_424 = vector.shape_cast %div3A_419 : vector<16xf32> to vector<1x16xf32>
      tpu.vector_store %arg7[%swap3A_420, %swap3A_421], %swap3A_424 {strides = array<i32>} : memref<512x64xf32, #tpu.memory_space<vmem>>, vector<1x16xf32>,
      %add3A_425 = arith.constant 8 : i32
      %add3A_426 = arith.addi %add3A_371, %add3A_425 : i32
      %lt3A_427 = arith.constant 512 : i32
      %lt3A_428 = arith.cmpi slt, %add3A_426, %lt3A_427 : i32
      %convert_element_type3A_429 = arith.extui %lt3A_428 : i1 to i32
      %cond3A_430 = arith.constant 0 : i32
      %cond3A_431 = arith.cmpi ne, %convert_element_type3A_429, %cond3A_430 : i32
      scf.if %cond3A_431 {
        %dma_start3A_556 = arith.constant 0 : i32
        %dma_start3A_557 = tpu.memref_slice %arg6[%add3A_426, %dma_start3A_556] : memref<512x50xi32, #tpu.memory_space<vmem>> -> memref<1x50xi32, #tpu.memory_space<vmem>>
        %dma_start3A_558 = tpu.memref_squeeze %dma_start3A_557 : memref<1x50xi32, #tpu.memory_space<vmem>> -> memref<50xi32, #tpu.memory_space<vmem>>
        %dma_start3A_559 = arith.constant 0 : i32
        %dma_start3A_560 = arith.constant 0 : i32
        %dma_start3A_561 = tpu.memref_slice %arg4[%dma_start3A_559, %dma_start3A_560] : memref<1000000x64xf32, #tpu.memory_space<hbm>> -> memref<1000000x64xf32, #tpu.memory_space<hbm>>
        tpu.enqueue_indirect_dma source(%dma_start3A_561 : memref<1000000x64xf32, #tpu.memory_space<hbm>>) target(%arg14 : memref<50x64xf32, #tpu.memory_space<vmem>>) offsets(%dma_start3A_558 : memref<50xi32, #tpu.memory_space<vmem>>) semaphore(%arg22 : memref<!tpu.dma_semaphore, #tpu.memory_space<semaphore_mem>>)
      } else {
      }
      %add3A_432 = arith.constant 6 : i32
      %add3A_433 = arith.addi %mul3A_69, %add3A_432 : i32
      %dma_wait3A_434 = arith.constant 0 : i32
      %dma_wait3A_435 = tpu.memref_slice %arg6[%add3A_433, %dma_wait3A_434] : memref<512x50xi32, #tpu.memory_space<vmem>> -> memref<1x50xi32, #tpu.memory_space<vmem>>
      %dma_wait3A_436 = tpu.memref_squeeze %dma_wait3A_435 : memref<1x50xi32, #tpu.memory_space<vmem>> -> memref<50xi32, #tpu.memory_space<vmem>>
      %dma_wait3A_437 = arith.constant 0 : i32
      %dma_wait3A_438 = arith.constant 0 : i32
      %dma_wait3A_439 = tpu.memref_slice %arg4[%dma_wait3A_437, %dma_wait3A_438] : memref<1000000x64xf32, #tpu.memory_space<hbm>> -> memref<1000000x64xf32, #tpu.memory_space<hbm>>
      tpu.wait_indirect_dma semaphore(%arg23 : memref<!tpu.dma_semaphore, #tpu.memory_space<semaphore_mem>>) src(%dma_wait3A_439 : memref<1000000x64xf32, #tpu.memory_space<hbm>>) dst(%arg15 : memref<50x64xf32, #tpu.memory_space<vmem>>)
      %get3A_440 = arith.index_cast %add3A_433 : i32 to index
      %get3A_441 = tpu.vector_load %arg8[%get3A_440] {strides = array<i32>} : memref<528xf32, #tpu.memory_space<vmem>>, vector<16xf32>,
      %get3A_442 = vector.shape_cast %get3A_441 : vector<16xf32> to vector<16xf32>
      %slice3A_443 = vector.extract_strided_slice %get3A_442 {offsets = [0], sizes = [1], strides = [1]} : vector<16xf32> to vector<1xf32>
      %squeeze3A_444 = vector.extract %slice3A_443[0] : f32 from vector<1xf32>
      %broadcast_in_dim3A_445 = arith.constant 0.000000e+00 : f32
      %broadcast_in_dim3A_446 = vector.broadcast %broadcast_in_dim3A_445 : f32 to vector<16xf32>
      %broadcast_in_dim3A_447 = arith.constant 0.000000e+00 : f32
      %broadcast_in_dim3A_448 = vector.broadcast %broadcast_in_dim3A_447 : f32 to vector<16xf32>
      %broadcast_in_dim3A_449 = arith.constant 0.000000e+00 : f32
      %broadcast_in_dim3A_450 = vector.broadcast %broadcast_in_dim3A_449 : f32 to vector<16xf32>
      %broadcast_in_dim3A_451 = arith.constant 0.000000e+00 : f32
      %broadcast_in_dim3A_452 = vector.broadcast %broadcast_in_dim3A_451 : f32 to vector<16xf32>
      %scan3A_453 = arith.constant 0 : i32
      %scan3A_454 = arith.constant 10 : i32
      %scan3A_455 = arith.addi %scan3A_453, %scan3A_454 : i32
      %scan3A_456 = arith.constant 1 : i32
      %scan3A_457:4 = scf.for %scan3A_556 = %scan3A_453 to %scan3A_455 step %scan3A_456 iter_args(%scan3A_557 = %broadcast_in_dim3A_446, %scan3A_558 = %broadcast_in_dim3A_448, %scan3A_559 = %broadcast_in_dim3A_450, %scan3A_560 = %broadcast_in_dim3A_452) -> (vector<16xf32>, vector<16xf32>, vector<16xf32>, vector<16xf32>)  : i32 {
        %mul3A_561 = arith.constant 5 : i32
        %mul3A_562 = arith.muli %scan3A_556, %mul3A_561 : i32
        %add3A_563 = arith.constant 0 : i32
        %add3A_564 = arith.addi %mul3A_562, %add3A_563 : i32
        %get3A_565 = arith.index_cast %add3A_564 : i32 to index
        %get3A_566 = arith.constant 0 : index
        %get3A_567 = tpu.vector_load %arg15[%get3A_565, %get3A_566] {strides = array<i32>} : memref<50x64xf32, #tpu.memory_space<vmem>>, vector<1x16xf32>,
        %get3A_568 = vector.shape_cast %get3A_567 : vector<1x16xf32> to vector<16xf32>
        %add3A_569 = arith.addf %scan3A_557, %get3A_568 : vector<16xf32>
        %get3A_570 = arith.index_cast %add3A_564 : i32 to index
        %get3A_571 = arith.constant 16 : index
        %get3A_572 = tpu.vector_load %arg15[%get3A_570, %get3A_571] {strides = array<i32>} : memref<50x64xf32, #tpu.memory_space<vmem>>, vector<1x16xf32>,
        %get3A_573 = vector.shape_cast %get3A_572 : vector<1x16xf32> to vector<16xf32>
        %add3A_574 = arith.addf %scan3A_558, %get3A_573 : vector<16xf32>
        %get3A_575 = arith.index_cast %add3A_564 : i32 to index
        %get3A_576 = arith.constant 32 : index
        %get3A_577 = tpu.vector_load %arg15[%get3A_575, %get3A_576] {strides = array<i32>} : memref<50x64xf32, #tpu.memory_space<vmem>>, vector<1x16xf32>,
        %get3A_578 = vector.shape_cast %get3A_577 : vector<1x16xf32> to vector<16xf32>
        %add3A_579 = arith.addf %scan3A_559, %get3A_578 : vector<16xf32>
        %get3A_580 = arith.index_cast %add3A_564 : i32 to index
        %get3A_581 = arith.constant 48 : index
        %get3A_582 = tpu.vector_load %arg15[%get3A_580, %get3A_581] {strides = array<i32>} : memref<50x64xf32, #tpu.memory_space<vmem>>, vector<1x16xf32>,
        %get3A_583 = vector.shape_cast %get3A_582 : vector<1x16xf32> to vector<16xf32>
        %add3A_584 = arith.addf %scan3A_560, %get3A_583 : vector<16xf32>
        %mul3A_585 = arith.constant 5 : i32
        %mul3A_586 = arith.muli %scan3A_556, %mul3A_585 : i32
        %add3A_587 = arith.constant 1 : i32
        %add3A_588 = arith.addi %mul3A_586, %add3A_587 : i32
        %get3A_589 = arith.index_cast %add3A_588 : i32 to index
        %get3A_590 = arith.constant 0 : index
        %get3A_591 = tpu.vector_load %arg15[%get3A_589, %get3A_590] {strides = array<i32>} : memref<50x64xf32, #tpu.memory_space<vmem>>, vector<1x16xf32>,
        %get3A_592 = vector.shape_cast %get3A_591 : vector<1x16xf32> to vector<16xf32>
        %add3A_593 = arith.addf %add3A_569, %get3A_592 : vector<16xf32>
        %get3A_594 = arith.index_cast %add3A_588 : i32 to index
        %get3A_595 = arith.constant 16 : index
        %get3A_596 = tpu.vector_load %arg15[%get3A_594, %get3A_595] {strides = array<i32>} : memref<50x64xf32, #tpu.memory_space<vmem>>, vector<1x16xf32>,
        %get3A_597 = vector.shape_cast %get3A_596 : vector<1x16xf32> to vector<16xf32>
        %add3A_598 = arith.addf %add3A_574, %get3A_597 : vector<16xf32>
        %get3A_599 = arith.index_cast %add3A_588 : i32 to index
        %get3A_600 = arith.constant 32 : index
        %get3A_601 = tpu.vector_load %arg15[%get3A_599, %get3A_600] {strides = array<i32>} : memref<50x64xf32, #tpu.memory_space<vmem>>, vector<1x16xf32>,
        %get3A_602 = vector.shape_cast %get3A_601 : vector<1x16xf32> to vector<16xf32>
        %add3A_603 = arith.addf %add3A_579, %get3A_602 : vector<16xf32>
        %get3A_604 = arith.index_cast %add3A_588 : i32 to index
        %get3A_605 = arith.constant 48 : index
        %get3A_606 = tpu.vector_load %arg15[%get3A_604, %get3A_605] {strides = array<i32>} : memref<50x64xf32, #tpu.memory_space<vmem>>, vector<1x16xf32>,
        %get3A_607 = vector.shape_cast %get3A_606 : vector<1x16xf32> to vector<16xf32>
        %add3A_608 = arith.addf %add3A_584, %get3A_607 : vector<16xf32>
        %mul3A_609 = arith.constant 5 : i32
        %mul3A_610 = arith.muli %scan3A_556, %mul3A_609 : i32
        %add3A_611 = arith.constant 2 : i32
        %add3A_612 = arith.addi %mul3A_610, %add3A_611 : i32
        %get3A_613 = arith.index_cast %add3A_612 : i32 to index
        %get3A_614 = arith.constant 0 : index
        %get3A_615 = tpu.vector_load %arg15[%get3A_613, %get3A_614] {strides = array<i32>} : memref<50x64xf32, #tpu.memory_space<vmem>>, vector<1x16xf32>,
        %get3A_616 = vector.shape_cast %get3A_615 : vector<1x16xf32> to vector<16xf32>
        %add3A_617 = arith.addf %add3A_593, %get3A_616 : vector<16xf32>
        %get3A_618 = arith.index_cast %add3A_612 : i32 to index
        %get3A_619 = arith.constant 16 : index
        %get3A_620 = tpu.vector_load %arg15[%get3A_618, %get3A_619] {strides = array<i32>} : memref<50x64xf32, #tpu.memory_space<vmem>>, vector<1x16xf32>,
        %get3A_621 = vector.shape_cast %get3A_620 : vector<1x16xf32> to vector<16xf32>
        %add3A_622 = arith.addf %add3A_598, %get3A_621 : vector<16xf32>
        %get3A_623 = arith.index_cast %add3A_612 : i32 to index
        %get3A_624 = arith.constant 32 : index
        %get3A_625 = tpu.vector_load %arg15[%get3A_623, %get3A_624] {strides = array<i32>} : memref<50x64xf32, #tpu.memory_space<vmem>>, vector<1x16xf32>,
        %get3A_626 = vector.shape_cast %get3A_625 : vector<1x16xf32> to vector<16xf32>
        %add3A_627 = arith.addf %add3A_603, %get3A_626 : vector<16xf32>
        %get3A_628 = arith.index_cast %add3A_612 : i32 to index
        %get3A_629 = arith.constant 48 : index
        %get3A_630 = tpu.vector_load %arg15[%get3A_628, %get3A_629] {strides = array<i32>} : memref<50x64xf32, #tpu.memory_space<vmem>>, vector<1x16xf32>,
        %get3A_631 = vector.shape_cast %get3A_630 : vector<1x16xf32> to vector<16xf32>
        %add3A_632 = arith.addf %add3A_608, %get3A_631 : vector<16xf32>
        %mul3A_633 = arith.constant 5 : i32
        %mul3A_634 = arith.muli %scan3A_556, %mul3A_633 : i32
        %add3A_635 = arith.constant 3 : i32
        %add3A_636 = arith.addi %mul3A_634, %add3A_635 : i32
        %get3A_637 = arith.index_cast %add3A_636 : i32 to index
        %get3A_638 = arith.constant 0 : index
        %get3A_639 = tpu.vector_load %arg15[%get3A_637, %get3A_638] {strides = array<i32>} : memref<50x64xf32, #tpu.memory_space<vmem>>, vector<1x16xf32>,
        %get3A_640 = vector.shape_cast %get3A_639 : vector<1x16xf32> to vector<16xf32>
        %add3A_641 = arith.addf %add3A_617, %get3A_640 : vector<16xf32>
        %get3A_642 = arith.index_cast %add3A_636 : i32 to index
        %get3A_643 = arith.constant 16 : index
        %get3A_644 = tpu.vector_load %arg15[%get3A_642, %get3A_643] {strides = array<i32>} : memref<50x64xf32, #tpu.memory_space<vmem>>, vector<1x16xf32>,
        %get3A_645 = vector.shape_cast %get3A_644 : vector<1x16xf32> to vector<16xf32>
        %add3A_646 = arith.addf %add3A_622, %get3A_645 : vector<16xf32>
        %get3A_647 = arith.index_cast %add3A_636 : i32 to index
        %get3A_648 = arith.constant 32 : index
        %get3A_649 = tpu.vector_load %arg15[%get3A_647, %get3A_648] {strides = array<i32>} : memref<50x64xf32, #tpu.memory_space<vmem>>, vector<1x16xf32>,
        %get3A_650 = vector.shape_cast %get3A_649 : vector<1x16xf32> to vector<16xf32>
        %add3A_651 = arith.addf %add3A_627, %get3A_650 : vector<16xf32>
        %get3A_652 = arith.index_cast %add3A_636 : i32 to index
        %get3A_653 = arith.constant 48 : index
        %get3A_654 = tpu.vector_load %arg15[%get3A_652, %get3A_653] {strides = array<i32>} : memref<50x64xf32, #tpu.memory_space<vmem>>, vector<1x16xf32>,
        %get3A_655 = vector.shape_cast %get3A_654 : vector<1x16xf32> to vector<16xf32>
        %add3A_656 = arith.addf %add3A_632, %get3A_655 : vector<16xf32>
        %mul3A_657 = arith.constant 5 : i32
        %mul3A_658 = arith.muli %scan3A_556, %mul3A_657 : i32
        %add3A_659 = arith.constant 4 : i32
        %add3A_660 = arith.addi %mul3A_658, %add3A_659 : i32
        %get3A_661 = arith.index_cast %add3A_660 : i32 to index
        %get3A_662 = arith.constant 0 : index
        %get3A_663 = tpu.vector_load %arg15[%get3A_661, %get3A_662] {strides = array<i32>} : memref<50x64xf32, #tpu.memory_space<vmem>>, vector<1x16xf32>,
        %get3A_664 = vector.shape_cast %get3A_663 : vector<1x16xf32> to vector<16xf32>
        %add3A_665 = arith.addf %add3A_641, %get3A_664 : vector<16xf32>
        %get3A_666 = arith.index_cast %add3A_660 : i32 to index
        %get3A_667 = arith.constant 16 : index
        %get3A_668 = tpu.vector_load %arg15[%get3A_666, %get3A_667] {strides = array<i32>} : memref<50x64xf32, #tpu.memory_space<vmem>>, vector<1x16xf32>,
        %get3A_669 = vector.shape_cast %get3A_668 : vector<1x16xf32> to vector<16xf32>
        %add3A_670 = arith.addf %add3A_646, %get3A_669 : vector<16xf32>
        %get3A_671 = arith.index_cast %add3A_660 : i32 to index
        %get3A_672 = arith.constant 32 : index
        %get3A_673 = tpu.vector_load %arg15[%get3A_671, %get3A_672] {strides = array<i32>} : memref<50x64xf32, #tpu.memory_space<vmem>>, vector<1x16xf32>,
        %get3A_674 = vector.shape_cast %get3A_673 : vector<1x16xf32> to vector<16xf32>
        %add3A_675 = arith.addf %add3A_651, %get3A_674 : vector<16xf32>
        %get3A_676 = arith.index_cast %add3A_660 : i32 to index
        %get3A_677 = arith.constant 48 : index
        %get3A_678 = tpu.vector_load %arg15[%get3A_676, %get3A_677] {strides = array<i32>} : memref<50x64xf32, #tpu.memory_space<vmem>>, vector<1x16xf32>,
        %get3A_679 = vector.shape_cast %get3A_678 : vector<1x16xf32> to vector<16xf32>
        %add3A_680 = arith.addf %add3A_656, %get3A_679 : vector<16xf32>
        scf.yield %add3A_665, %add3A_670, %add3A_675, %add3A_680 : vector<16xf32>, vector<16xf32>, vector<16xf32>, vector<16xf32>
      }
      %scan3A_458 = arith.constant 10 : i32
      %div3A_459 = vector.broadcast %squeeze3A_444 : f32 to vector<16xf32>
      %div3A_460 = arith.divf %scan3A_457#0, %div3A_459 : vector<16xf32>
      %swap3A_461 = arith.index_cast %add3A_433 : i32 to index
      %swap3A_462 = arith.constant 0 : index
      %swap3A_463 = tpu.vector_load %arg7[%swap3A_461, %swap3A_462] {strides = array<i32>} : memref<512x64xf32, #tpu.memory_space<vmem>>, vector<1x16xf32>,
      %swap3A_464 = vector.shape_cast %swap3A_463 : vector<1x16xf32> to vector<16xf32>
      %swap3A_465 = vector.shape_cast %div3A_460 : vector<16xf32> to vector<1x16xf32>
      tpu.vector_store %arg7[%swap3A_461, %swap3A_462], %swap3A_465 {strides = array<i32>} : memref<512x64xf32, #tpu.memory_space<vmem>>, vector<1x16xf32>,
      %div3A_466 = vector.broadcast %squeeze3A_444 : f32 to vector<16xf32>
      %div3A_467 = arith.divf %scan3A_457#1, %div3A_466 : vector<16xf32>
      %swap3A_468 = arith.index_cast %add3A_433 : i32 to index
      %swap3A_469 = arith.constant 16 : index
      %swap3A_470 = tpu.vector_load %arg7[%swap3A_468, %swap3A_469] {strides = array<i32>} : memref<512x64xf32, #tpu.memory_space<vmem>>, vector<1x16xf32>,
      %swap3A_471 = vector.shape_cast %swap3A_470 : vector<1x16xf32> to vector<16xf32>
      %swap3A_472 = vector.shape_cast %div3A_467 : vector<16xf32> to vector<1x16xf32>
      tpu.vector_store %arg7[%swap3A_468, %swap3A_469], %swap3A_472 {strides = array<i32>} : memref<512x64xf32, #tpu.memory_space<vmem>>, vector<1x16xf32>,
      %div3A_473 = vector.broadcast %squeeze3A_444 : f32 to vector<16xf32>
      %div3A_474 = arith.divf %scan3A_457#2, %div3A_473 : vector<16xf32>
      %swap3A_475 = arith.index_cast %add3A_433 : i32 to index
      %swap3A_476 = arith.constant 32 : index
      %swap3A_477 = tpu.vector_load %arg7[%swap3A_475, %swap3A_476] {strides = array<i32>} : memref<512x64xf32, #tpu.memory_space<vmem>>, vector<1x16xf32>,
      %swap3A_478 = vector.shape_cast %swap3A_477 : vector<1x16xf32> to vector<16xf32>
      %swap3A_479 = vector.shape_cast %div3A_474 : vector<16xf32> to vector<1x16xf32>
      tpu.vector_store %arg7[%swap3A_475, %swap3A_476], %swap3A_479 {strides = array<i32>} : memref<512x64xf32, #tpu.memory_space<vmem>>, vector<1x16xf32>,
      %div3A_480 = vector.broadcast %squeeze3A_444 : f32 to vector<16xf32>
      %div3A_481 = arith.divf %scan3A_457#3, %div3A_480 : vector<16xf32>
      %swap3A_482 = arith.index_cast %add3A_433 : i32 to index
      %swap3A_483 = arith.constant 48 : index
      %swap3A_484 = tpu.vector_load %arg7[%swap3A_482, %swap3A_483] {strides = array<i32>} : memref<512x64xf32, #tpu.memory_space<vmem>>, vector<1x16xf32>,
      %swap3A_485 = vector.shape_cast %swap3A_484 : vector<1x16xf32> to vector<16xf32>
      %swap3A_486 = vector.shape_cast %div3A_481 : vector<16xf32> to vector<1x16xf32>
      tpu.vector_store %arg7[%swap3A_482, %swap3A_483], %swap3A_486 {strides = array<i32>} : memref<512x64xf32, #tpu.memory_space<vmem>>, vector<1x16xf32>,
      %add3A_487 = arith.constant 8 : i32
      %add3A_488 = arith.addi %add3A_433, %add3A_487 : i32
      %lt3A_489 = arith.constant 512 : i32
      %lt3A_490 = arith.cmpi slt, %add3A_488, %lt3A_489 : i32
      %convert_element_type3A_491 = arith.extui %lt3A_490 : i1 to i32
      %cond3A_492 = arith.constant 0 : i32
      %cond3A_493 = arith.cmpi ne, %convert_element_type3A_491, %cond3A_492 : i32
      scf.if %cond3A_493 {
        %dma_start3A_556 = arith.constant 0 : i32
        %dma_start3A_557 = tpu.memref_slice %arg6[%add3A_488, %dma_start3A_556] : memref<512x50xi32, #tpu.memory_space<vmem>> -> memref<1x50xi32, #tpu.memory_space<vmem>>
        %dma_start3A_558 = tpu.memref_squeeze %dma_start3A_557 : memref<1x50xi32, #tpu.memory_space<vmem>> -> memref<50xi32, #tpu.memory_space<vmem>>
        %dma_start3A_559 = arith.constant 0 : i32
        %dma_start3A_560 = arith.constant 0 : i32
        %dma_start3A_561 = tpu.memref_slice %arg4[%dma_start3A_559, %dma_start3A_560] : memref<1000000x64xf32, #tpu.memory_space<hbm>> -> memref<1000000x64xf32, #tpu.memory_space<hbm>>
        tpu.enqueue_indirect_dma source(%dma_start3A_561 : memref<1000000x64xf32, #tpu.memory_space<hbm>>) target(%arg15 : memref<50x64xf32, #tpu.memory_space<vmem>>) offsets(%dma_start3A_558 : memref<50xi32, #tpu.memory_space<vmem>>) semaphore(%arg23 : memref<!tpu.dma_semaphore, #tpu.memory_space<semaphore_mem>>)
      } else {
      }
      %add3A_494 = arith.constant 7 : i32
      %add3A_495 = arith.addi %mul3A_69, %add3A_494 : i32
      %dma_wait3A_496 = arith.constant 0 : i32
      %dma_wait3A_497 = tpu.memref_slice %arg6[%add3A_495, %dma_wait3A_496] : memref<512x50xi32, #tpu.memory_space<vmem>> -> memref<1x50xi32, #tpu.memory_space<vmem>>
      %dma_wait3A_498 = tpu.memref_squeeze %dma_wait3A_497 : memref<1x50xi32, #tpu.memory_space<vmem>> -> memref<50xi32, #tpu.memory_space<vmem>>
      %dma_wait3A_499 = arith.constant 0 : i32
      %dma_wait3A_500 = arith.constant 0 : i32
      %dma_wait3A_501 = tpu.memref_slice %arg4[%dma_wait3A_499, %dma_wait3A_500] : memref<1000000x64xf32, #tpu.memory_space<hbm>> -> memref<1000000x64xf32, #tpu.memory_space<hbm>>
      tpu.wait_indirect_dma semaphore(%arg24 : memref<!tpu.dma_semaphore, #tpu.memory_space<semaphore_mem>>) src(%dma_wait3A_501 : memref<1000000x64xf32, #tpu.memory_space<hbm>>) dst(%arg16 : memref<50x64xf32, #tpu.memory_space<vmem>>)
      %get3A_502 = arith.index_cast %add3A_495 : i32 to index
      %get3A_503 = tpu.vector_load %arg8[%get3A_502] {strides = array<i32>} : memref<528xf32, #tpu.memory_space<vmem>>, vector<16xf32>,
      %get3A_504 = vector.shape_cast %get3A_503 : vector<16xf32> to vector<16xf32>
      %slice3A_505 = vector.extract_strided_slice %get3A_504 {offsets = [0], sizes = [1], strides = [1]} : vector<16xf32> to vector<1xf32>
      %squeeze3A_506 = vector.extract %slice3A_505[0] : f32 from vector<1xf32>
      %broadcast_in_dim3A_507 = arith.constant 0.000000e+00 : f32
      %broadcast_in_dim3A_508 = vector.broadcast %broadcast_in_dim3A_507 : f32 to vector<16xf32>
      %broadcast_in_dim3A_509 = arith.constant 0.000000e+00 : f32
      %broadcast_in_dim3A_510 = vector.broadcast %broadcast_in_dim3A_509 : f32 to vector<16xf32>
      %broadcast_in_dim3A_511 = arith.constant 0.000000e+00 : f32
      %broadcast_in_dim3A_512 = vector.broadcast %broadcast_in_dim3A_511 : f32 to vector<16xf32>
      %broadcast_in_dim3A_513 = arith.constant 0.000000e+00 : f32
      %broadcast_in_dim3A_514 = vector.broadcast %broadcast_in_dim3A_513 : f32 to vector<16xf32>
      %scan3A_515 = arith.constant 0 : i32
      %scan3A_516 = arith.constant 10 : i32
      %scan3A_517 = arith.addi %scan3A_515, %scan3A_516 : i32
      %scan3A_518 = arith.constant 1 : i32
      %scan3A_519:4 = scf.for %scan3A_556 = %scan3A_515 to %scan3A_517 step %scan3A_518 iter_args(%scan3A_557 = %broadcast_in_dim3A_508, %scan3A_558 = %broadcast_in_dim3A_510, %scan3A_559 = %broadcast_in_dim3A_512, %scan3A_560 = %broadcast_in_dim3A_514) -> (vector<16xf32>, vector<16xf32>, vector<16xf32>, vector<16xf32>)  : i32 {
        %mul3A_561 = arith.constant 5 : i32
        %mul3A_562 = arith.muli %scan3A_556, %mul3A_561 : i32
        %add3A_563 = arith.constant 0 : i32
        %add3A_564 = arith.addi %mul3A_562, %add3A_563 : i32
        %get3A_565 = arith.index_cast %add3A_564 : i32 to index
        %get3A_566 = arith.constant 0 : index
        %get3A_567 = tpu.vector_load %arg16[%get3A_565, %get3A_566] {strides = array<i32>} : memref<50x64xf32, #tpu.memory_space<vmem>>, vector<1x16xf32>,
        %get3A_568 = vector.shape_cast %get3A_567 : vector<1x16xf32> to vector<16xf32>
        %add3A_569 = arith.addf %scan3A_557, %get3A_568 : vector<16xf32>
        %get3A_570 = arith.index_cast %add3A_564 : i32 to index
        %get3A_571 = arith.constant 16 : index
        %get3A_572 = tpu.vector_load %arg16[%get3A_570, %get3A_571] {strides = array<i32>} : memref<50x64xf32, #tpu.memory_space<vmem>>, vector<1x16xf32>,
        %get3A_573 = vector.shape_cast %get3A_572 : vector<1x16xf32> to vector<16xf32>
        %add3A_574 = arith.addf %scan3A_558, %get3A_573 : vector<16xf32>
        %get3A_575 = arith.index_cast %add3A_564 : i32 to index
        %get3A_576 = arith.constant 32 : index
        %get3A_577 = tpu.vector_load %arg16[%get3A_575, %get3A_576] {strides = array<i32>} : memref<50x64xf32, #tpu.memory_space<vmem>>, vector<1x16xf32>,
        %get3A_578 = vector.shape_cast %get3A_577 : vector<1x16xf32> to vector<16xf32>
        %add3A_579 = arith.addf %scan3A_559, %get3A_578 : vector<16xf32>
        %get3A_580 = arith.index_cast %add3A_564 : i32 to index
        %get3A_581 = arith.constant 48 : index
        %get3A_582 = tpu.vector_load %arg16[%get3A_580, %get3A_581] {strides = array<i32>} : memref<50x64xf32, #tpu.memory_space<vmem>>, vector<1x16xf32>,
        %get3A_583 = vector.shape_cast %get3A_582 : vector<1x16xf32> to vector<16xf32>
        %add3A_584 = arith.addf %scan3A_560, %get3A_583 : vector<16xf32>
        %mul3A_585 = arith.constant 5 : i32
        %mul3A_586 = arith.muli %scan3A_556, %mul3A_585 : i32
        %add3A_587 = arith.constant 1 : i32
        %add3A_588 = arith.addi %mul3A_586, %add3A_587 : i32
        %get3A_589 = arith.index_cast %add3A_588 : i32 to index
        %get3A_590 = arith.constant 0 : index
        %get3A_591 = tpu.vector_load %arg16[%get3A_589, %get3A_590] {strides = array<i32>} : memref<50x64xf32, #tpu.memory_space<vmem>>, vector<1x16xf32>,
        %get3A_592 = vector.shape_cast %get3A_591 : vector<1x16xf32> to vector<16xf32>
        %add3A_593 = arith.addf %add3A_569, %get3A_592 : vector<16xf32>
        %get3A_594 = arith.index_cast %add3A_588 : i32 to index
        %get3A_595 = arith.constant 16 : index
        %get3A_596 = tpu.vector_load %arg16[%get3A_594, %get3A_595] {strides = array<i32>} : memref<50x64xf32, #tpu.memory_space<vmem>>, vector<1x16xf32>,
        %get3A_597 = vector.shape_cast %get3A_596 : vector<1x16xf32> to vector<16xf32>
        %add3A_598 = arith.addf %add3A_574, %get3A_597 : vector<16xf32>
        %get3A_599 = arith.index_cast %add3A_588 : i32 to index
        %get3A_600 = arith.constant 32 : index
        %get3A_601 = tpu.vector_load %arg16[%get3A_599, %get3A_600] {strides = array<i32>} : memref<50x64xf32, #tpu.memory_space<vmem>>, vector<1x16xf32>,
        %get3A_602 = vector.shape_cast %get3A_601 : vector<1x16xf32> to vector<16xf32>
        %add3A_603 = arith.addf %add3A_579, %get3A_602 : vector<16xf32>
        %get3A_604 = arith.index_cast %add3A_588 : i32 to index
        %get3A_605 = arith.constant 48 : index
        %get3A_606 = tpu.vector_load %arg16[%get3A_604, %get3A_605] {strides = array<i32>} : memref<50x64xf32, #tpu.memory_space<vmem>>, vector<1x16xf32>,
        %get3A_607 = vector.shape_cast %get3A_606 : vector<1x16xf32> to vector<16xf32>
        %add3A_608 = arith.addf %add3A_584, %get3A_607 : vector<16xf32>
        %mul3A_609 = arith.constant 5 : i32
        %mul3A_610 = arith.muli %scan3A_556, %mul3A_609 : i32
        %add3A_611 = arith.constant 2 : i32
        %add3A_612 = arith.addi %mul3A_610, %add3A_611 : i32
        %get3A_613 = arith.index_cast %add3A_612 : i32 to index
        %get3A_614 = arith.constant 0 : index
        %get3A_615 = tpu.vector_load %arg16[%get3A_613, %get3A_614] {strides = array<i32>} : memref<50x64xf32, #tpu.memory_space<vmem>>, vector<1x16xf32>,
        %get3A_616 = vector.shape_cast %get3A_615 : vector<1x16xf32> to vector<16xf32>
        %add3A_617 = arith.addf %add3A_593, %get3A_616 : vector<16xf32>
        %get3A_618 = arith.index_cast %add3A_612 : i32 to index
        %get3A_619 = arith.constant 16 : index
        %get3A_620 = tpu.vector_load %arg16[%get3A_618, %get3A_619] {strides = array<i32>} : memref<50x64xf32, #tpu.memory_space<vmem>>, vector<1x16xf32>,
        %get3A_621 = vector.shape_cast %get3A_620 : vector<1x16xf32> to vector<16xf32>
        %add3A_622 = arith.addf %add3A_598, %get3A_621 : vector<16xf32>
        %get3A_623 = arith.index_cast %add3A_612 : i32 to index
        %get3A_624 = arith.constant 32 : index
        %get3A_625 = tpu.vector_load %arg16[%get3A_623, %get3A_624] {strides = array<i32>} : memref<50x64xf32, #tpu.memory_space<vmem>>, vector<1x16xf32>,
        %get3A_626 = vector.shape_cast %get3A_625 : vector<1x16xf32> to vector<16xf32>
        %add3A_627 = arith.addf %add3A_603, %get3A_626 : vector<16xf32>
        %get3A_628 = arith.index_cast %add3A_612 : i32 to index
        %get3A_629 = arith.constant 48 : index
        %get3A_630 = tpu.vector_load %arg16[%get3A_628, %get3A_629] {strides = array<i32>} : memref<50x64xf32, #tpu.memory_space<vmem>>, vector<1x16xf32>,
        %get3A_631 = vector.shape_cast %get3A_630 : vector<1x16xf32> to vector<16xf32>
        %add3A_632 = arith.addf %add3A_608, %get3A_631 : vector<16xf32>
        %mul3A_633 = arith.constant 5 : i32
        %mul3A_634 = arith.muli %scan3A_556, %mul3A_633 : i32
        %add3A_635 = arith.constant 3 : i32
        %add3A_636 = arith.addi %mul3A_634, %add3A_635 : i32
        %get3A_637 = arith.index_cast %add3A_636 : i32 to index
        %get3A_638 = arith.constant 0 : index
        %get3A_639 = tpu.vector_load %arg16[%get3A_637, %get3A_638] {strides = array<i32>} : memref<50x64xf32, #tpu.memory_space<vmem>>, vector<1x16xf32>,
        %get3A_640 = vector.shape_cast %get3A_639 : vector<1x16xf32> to vector<16xf32>
        %add3A_641 = arith.addf %add3A_617, %get3A_640 : vector<16xf32>
        %get3A_642 = arith.index_cast %add3A_636 : i32 to index
        %get3A_643 = arith.constant 16 : index
        %get3A_644 = tpu.vector_load %arg16[%get3A_642, %get3A_643] {strides = array<i32>} : memref<50x64xf32, #tpu.memory_space<vmem>>, vector<1x16xf32>,
        %get3A_645 = vector.shape_cast %get3A_644 : vector<1x16xf32> to vector<16xf32>
        %add3A_646 = arith.addf %add3A_622, %get3A_645 : vector<16xf32>
        %get3A_647 = arith.index_cast %add3A_636 : i32 to index
        %get3A_648 = arith.constant 32 : index
        %get3A_649 = tpu.vector_load %arg16[%get3A_647, %get3A_648] {strides = array<i32>} : memref<50x64xf32, #tpu.memory_space<vmem>>, vector<1x16xf32>,
        %get3A_650 = vector.shape_cast %get3A_649 : vector<1x16xf32> to vector<16xf32>
        %add3A_651 = arith.addf %add3A_627, %get3A_650 : vector<16xf32>
        %get3A_652 = arith.index_cast %add3A_636 : i32 to index
        %get3A_653 = arith.constant 48 : index
        %get3A_654 = tpu.vector_load %arg16[%get3A_652, %get3A_653] {strides = array<i32>} : memref<50x64xf32, #tpu.memory_space<vmem>>, vector<1x16xf32>,
        %get3A_655 = vector.shape_cast %get3A_654 : vector<1x16xf32> to vector<16xf32>
        %add3A_656 = arith.addf %add3A_632, %get3A_655 : vector<16xf32>
        %mul3A_657 = arith.constant 5 : i32
        %mul3A_658 = arith.muli %scan3A_556, %mul3A_657 : i32
        %add3A_659 = arith.constant 4 : i32
        %add3A_660 = arith.addi %mul3A_658, %add3A_659 : i32
        %get3A_661 = arith.index_cast %add3A_660 : i32 to index
        %get3A_662 = arith.constant 0 : index
        %get3A_663 = tpu.vector_load %arg16[%get3A_661, %get3A_662] {strides = array<i32>} : memref<50x64xf32, #tpu.memory_space<vmem>>, vector<1x16xf32>,
        %get3A_664 = vector.shape_cast %get3A_663 : vector<1x16xf32> to vector<16xf32>
        %add3A_665 = arith.addf %add3A_641, %get3A_664 : vector<16xf32>
        %get3A_666 = arith.index_cast %add3A_660 : i32 to index
        %get3A_667 = arith.constant 16 : index
        %get3A_668 = tpu.vector_load %arg16[%get3A_666, %get3A_667] {strides = array<i32>} : memref<50x64xf32, #tpu.memory_space<vmem>>, vector<1x16xf32>,
        %get3A_669 = vector.shape_cast %get3A_668 : vector<1x16xf32> to vector<16xf32>
        %add3A_670 = arith.addf %add3A_646, %get3A_669 : vector<16xf32>
        %get3A_671 = arith.index_cast %add3A_660 : i32 to index
        %get3A_672 = arith.constant 32 : index
        %get3A_673 = tpu.vector_load %arg16[%get3A_671, %get3A_672] {strides = array<i32>} : memref<50x64xf32, #tpu.memory_space<vmem>>, vector<1x16xf32>,
        %get3A_674 = vector.shape_cast %get3A_673 : vector<1x16xf32> to vector<16xf32>
        %add3A_675 = arith.addf %add3A_651, %get3A_674 : vector<16xf32>
        %get3A_676 = arith.index_cast %add3A_660 : i32 to index
        %get3A_677 = arith.constant 48 : index
        %get3A_678 = tpu.vector_load %arg16[%get3A_676, %get3A_677] {strides = array<i32>} : memref<50x64xf32, #tpu.memory_space<vmem>>, vector<1x16xf32>,
        %get3A_679 = vector.shape_cast %get3A_678 : vector<1x16xf32> to vector<16xf32>
        %add3A_680 = arith.addf %add3A_656, %get3A_679 : vector<16xf32>
        scf.yield %add3A_665, %add3A_670, %add3A_675, %add3A_680 : vector<16xf32>, vector<16xf32>, vector<16xf32>, vector<16xf32>
      }
      %scan3A_520 = arith.constant 10 : i32
      %div3A_521 = vector.broadcast %squeeze3A_506 : f32 to vector<16xf32>
      %div3A_522 = arith.divf %scan3A_519#0, %div3A_521 : vector<16xf32>
      %swap3A_523 = arith.index_cast %add3A_495 : i32 to index
      %swap3A_524 = arith.constant 0 : index
      %swap3A_525 = tpu.vector_load %arg7[%swap3A_523, %swap3A_524] {strides = array<i32>} : memref<512x64xf32, #tpu.memory_space<vmem>>, vector<1x16xf32>,
      %swap3A_526 = vector.shape_cast %swap3A_525 : vector<1x16xf32> to vector<16xf32>
      %swap3A_527 = vector.shape_cast %div3A_522 : vector<16xf32> to vector<1x16xf32>
      tpu.vector_store %arg7[%swap3A_523, %swap3A_524], %swap3A_527 {strides = array<i32>} : memref<512x64xf32, #tpu.memory_space<vmem>>, vector<1x16xf32>,
      %div3A_528 = vector.broadcast %squeeze3A_506 : f32 to vector<16xf32>
      %div3A_529 = arith.divf %scan3A_519#1, %div3A_528 : vector<16xf32>
      %swap3A_530 = arith.index_cast %add3A_495 : i32 to index
      %swap3A_531 = arith.constant 16 : index
      %swap3A_532 = tpu.vector_load %arg7[%swap3A_530, %swap3A_531] {strides = array<i32>} : memref<512x64xf32, #tpu.memory_space<vmem>>, vector<1x16xf32>,
      %swap3A_533 = vector.shape_cast %swap3A_532 : vector<1x16xf32> to vector<16xf32>
      %swap3A_534 = vector.shape_cast %div3A_529 : vector<16xf32> to vector<1x16xf32>
      tpu.vector_store %arg7[%swap3A_530, %swap3A_531], %swap3A_534 {strides = array<i32>} : memref<512x64xf32, #tpu.memory_space<vmem>>, vector<1x16xf32>,
      %div3A_535 = vector.broadcast %squeeze3A_506 : f32 to vector<16xf32>
      %div3A_536 = arith.divf %scan3A_519#2, %div3A_535 : vector<16xf32>
      %swap3A_537 = arith.index_cast %add3A_495 : i32 to index
      %swap3A_538 = arith.constant 32 : index
      %swap3A_539 = tpu.vector_load %arg7[%swap3A_537, %swap3A_538] {strides = array<i32>} : memref<512x64xf32, #tpu.memory_space<vmem>>, vector<1x16xf32>,
      %swap3A_540 = vector.shape_cast %swap3A_539 : vector<1x16xf32> to vector<16xf32>
      %swap3A_541 = vector.shape_cast %div3A_536 : vector<16xf32> to vector<1x16xf32>
      tpu.vector_store %arg7[%swap3A_537, %swap3A_538], %swap3A_541 {strides = array<i32>} : memref<512x64xf32, #tpu.memory_space<vmem>>, vector<1x16xf32>,
      %div3A_542 = vector.broadcast %squeeze3A_506 : f32 to vector<16xf32>
      %div3A_543 = arith.divf %scan3A_519#3, %div3A_542 : vector<16xf32>
      %swap3A_544 = arith.index_cast %add3A_495 : i32 to index
      %swap3A_545 = arith.constant 48 : index
      %swap3A_546 = tpu.vector_load %arg7[%swap3A_544, %swap3A_545] {strides = array<i32>} : memref<512x64xf32, #tpu.memory_space<vmem>>, vector<1x16xf32>,
      %swap3A_547 = vector.shape_cast %swap3A_546 : vector<1x16xf32> to vector<16xf32>
      %swap3A_548 = vector.shape_cast %div3A_543 : vector<16xf32> to vector<1x16xf32>
      tpu.vector_store %arg7[%swap3A_544, %swap3A_545], %swap3A_548 {strides = array<i32>} : memref<512x64xf32, #tpu.memory_space<vmem>>, vector<1x16xf32>,
      %add3A_549 = arith.constant 8 : i32
      %add3A_550 = arith.addi %add3A_495, %add3A_549 : i32
      %lt3A_551 = arith.constant 512 : i32
      %lt3A_552 = arith.cmpi slt, %add3A_550, %lt3A_551 : i32
      %convert_element_type3A_553 = arith.extui %lt3A_552 : i1 to i32
      %cond3A_554 = arith.constant 0 : i32
      %cond3A_555 = arith.cmpi ne, %convert_element_type3A_553, %cond3A_554 : i32
      scf.if %cond3A_555 {
        %dma_start3A_556 = arith.constant 0 : i32
        %dma_start3A_557 = tpu.memref_slice %arg6[%add3A_550, %dma_start3A_556] : memref<512x50xi32, #tpu.memory_space<vmem>> -> memref<1x50xi32, #tpu.memory_space<vmem>>
        %dma_start3A_558 = tpu.memref_squeeze %dma_start3A_557 : memref<1x50xi32, #tpu.memory_space<vmem>> -> memref<50xi32, #tpu.memory_space<vmem>>
        %dma_start3A_559 = arith.constant 0 : i32
        %dma_start3A_560 = arith.constant 0 : i32
        %dma_start3A_561 = tpu.memref_slice %arg4[%dma_start3A_559, %dma_start3A_560] : memref<1000000x64xf32, #tpu.memory_space<hbm>> -> memref<1000000x64xf32, #tpu.memory_space<hbm>>
        tpu.enqueue_indirect_dma source(%dma_start3A_561 : memref<1000000x64xf32, #tpu.memory_space<hbm>>) target(%arg16 : memref<50x64xf32, #tpu.memory_space<vmem>>) offsets(%dma_start3A_558 : memref<50xi32, #tpu.memory_space<vmem>>) semaphore(%arg24 : memref<!tpu.dma_semaphore, #tpu.memory_space<semaphore_mem>>)
      } else {
      }
    }
    %scan3A_64 = arith.constant 64 : i32
    %mul3A_65 = arith.constant 512 : i32
    %mul3A_66 = arith.muli %add3A, %mul3A_65 : i32
    "tpu.region"() ({
      %run_scoped3A = tpu.sem_alloc : memref<!tpu.dma_semaphore, #tpu.memory_space<semaphore_mem>>
      %dma_start3A_67 = arith.constant 0 : i32
      %dma_start3A_68 = tpu.memref_slice %arg5[%mul3A_66, %dma_start3A_67] : memref<16384x64xf32, #tpu.memory_space<hbm>> -> memref<512x64xf32, #tpu.memory_space<hbm>>
      %dma_start3A_69 = arith.constant 0 : i32
      %dma_start3A_70 = tpu.memref_slice %arg5[%mul3A_66, %dma_start3A_69] : memref<16384x64xf32, #tpu.memory_space<hbm>> -> memref<512x64xf32, #tpu.memory_space<hbm>>
      tpu.enqueue_dma source(%arg7 : memref<512x64xf32, #tpu.memory_space<vmem>>) target(%dma_start3A_70 : memref<512x64xf32, #tpu.memory_space<hbm>>) target_semaphore(%run_scoped3A : memref<!tpu.dma_semaphore, #tpu.memory_space<semaphore_mem>>)
      %dma_wait3A = arith.constant 0 : i32
      %dma_wait3A_71 = tpu.memref_slice %arg5[%mul3A_66, %dma_wait3A] : memref<16384x64xf32, #tpu.memory_space<hbm>> -> memref<512x64xf32, #tpu.memory_space<hbm>>
      %dma_wait3A_72 = arith.constant 0 : i32
      %dma_wait3A_73 = tpu.memref_slice %arg5[%mul3A_66, %dma_wait3A_72] : memref<16384x64xf32, #tpu.memory_space<hbm>> -> memref<512x64xf32, #tpu.memory_space<hbm>>
      tpu.wait_dma2 semaphore(%run_scoped3A : memref<!tpu.dma_semaphore, #tpu.memory_space<semaphore_mem>>) src(%arg7 : memref<512x64xf32, #tpu.memory_space<vmem>>) dst(%dma_wait3A_73 : memref<512x64xf32, #tpu.memory_space<hbm>>)
      tpu.yield
    }) : () -> ()
    return
  }
}

</mosaic_0001>

<sc_bundles>
// kernel: kernel.3.cloned.1.call-start
scs
__scs_entry_jumppad:
0x0: {  	(pc) =	sbr.rel $0x88, $3  }
0x1: {  	(tag) =	ssettag $0x0;
	lr =	simm.s32 $0x1  }
0x2: {  	[smem:$0x3F9E] =	sst lr;
	_ =	strace $0xD0000000  }
0x3: {  	_ = 	snop  }
0x4: {  	_ = 	snop  }
0x5: {  	_ = 	snop  }
0x6: {  	_ = 	snop  }
0x7: {  	_ = 	snop  }
__scs_overlays_trampoline_lowered:
0x8: {  	[smem:$0x3FAD] =	sst s0  }
0x9: {  	[smem:$0x3FAE] =	sst s1  }
0xa: {  	[smem:$0x3FAF] =	sst s2  }
0xb: {  	[smem:$0x3FB0] =	sst s3  }
0xc: {  	[smem:$0x3FB1] =	sst s4  }
0xd: {  	[smem:$0x3FB2] =	sst s5  }
0xe: {  	[smem:$0x3FB3] =	sst s6  }
0xf: {  	[smem:$0x3FB4] =	sst s7  }
0x10: {  	[smem:$0x3FB5] =	sst s8  }
0x11: {  	[smem:$0x3FB6] =	sst s9;
	s0 =	simm.s32 @!p0 $0x0  }
0x12: {  	s1 =	sld [smem:$0x3F9C];
	s0 =	simm.s32 @p0 $0x1  }
0x13: {  	[smem:$0x3FB7] =	sst s0;
	s0 =	simm.s32 @!p1 $0x0  }
0x14: {  	s2 =	sld [smem:$0x3F9B];
	s0 =	simm.s32 @p1 $0x1  }
0x15: {  	[smem:$0x3FB8] =	sst s0;
	s0 =	simm.s32 @!p2 $0x0  }
0x16: {  	s3 =	sld [smem:$0x3FDB];
	s0 =	simm.s32 @p2 $0x1  }
0x17: {  	s4 =	simm.s32 $0x1BF5;
	[smem:$0x3FBA] =	sst s0  }
0x18: {  	s0 =	sld [smem:$0x3F9D];
	_ =	swait.ge [sflag:s4], $0x0  }
0x19: {  	s7 =	sld [smem:$0x3F9E]  }
0x1a: {  	s8 =	sadd.s32 $0xFFFFE003, lr  }
0x1b: {  	s9 =	sadd.s32 $0xFFFFFEF7, lr;
	s5 =	simm.s32 $0xFFFFFFFF;
	p2 =	slt.u32 s8, $0xFFFFF086  }
0x1c: {  	p1 =	slt.u32 s9, $0xF7A;
	s5 =	simm.s32 @!p2 $0x0  }
0x1d: {  	s5 =	simm.s32 @p1 $0x1;
	p0 =	seq.s32 s7, s2  }
0x1e: {  	s7 =	smul.u32 @!p0 $0xF7A, s2;
	p2 =	seq.s32 @!p0 s5, $0x0  }
0x1f: {  	s9 =	smul.u32 $0xF7A, s1;
	s8 =	simm.s32 @!p0 $0x1BF5;
	p2 =	por !p2, p0  }
0x20: {  	[sflag:s8] =	ssyncset.s32 @!p0 $0xFFFFF086;
	s6 =	sadd.s32 @!p0 s3, s7;
	s7 =	simm.s32 @!p0 $0x108  }
0x21: {  	s3 =	sadd.s32 s3, s9;
	s6 =	sadd.s32 @!p0 $0x88, s6;
	s7 =	simm.s32 @p2 $0x1082  }
0x22: {  	[simem:s7], [sflag:s8] =	dma.local @!p0 [hbm:s6], $0xF7A  }
0x23: {  	s9 =	sor.u32 $0xD0000000, s2;
	s6 =	simm.s32 $0x108;
	_ =	swait.ge @!p0 [sflag:s8], $0x0  }
0x24: {  	s3 =	sadd.s32 $0x88, s3;
	s6 =	simm.s32 @!p1 $0x1082;
	[sflag:s4] =	ssyncset.s32 $0xFFFFF086  }
0x25: {  	[simem:s6], [sflag:s4] =	dma.local [hbm:s3], $0xF7A  }
0x26: {  	[smem:$0x3F9E] =	sst s1;
	(tag) =	ssettag s2;
	_ =	strace s9  }
0x27: {  	s1 =	sld [smem:$0x3FAE]  }
0x28: {  	s2 =	sld [smem:$0x3FAF]  }
0x29: {  	s4 =	sld [smem:$0x3FB1]  }
0x2a: {  	p0 =	seq.s32 s5, $0x0;
	s5 =	sld [smem:$0x3FB2]  }
0x2b: {  	s6 =	sld [smem:$0x3FB3]  }
0x2c: {  	s7 =	sld [smem:$0x3FB4]  }
0x2d: {  	s3 =	simm.s32 $0x108;
	s8 =	sld [smem:$0x3FB5]  }
0x2e: {  	s3 =	simm.s32 @!p0 $0x1082;
	s9 =	sld [smem:$0x3FB6]  }
0x2f: {  	lr =	sadd.s32 s0, s3;
	s0 =	sld [smem:$0x3FAD]  }
0x30: {  	s3 =	sld [smem:$0x3FB0]  }
0x31: {  	[smem:$0x3FB9] =	sst s10  }
0x32: {  	s10 =	sld [smem:$0x3FB7];
	_ =	sdelay $0x3  }
0x33: {  	p0 =	seq.s32 s10, $0x1;
	s10 =	sld [smem:$0x3FB9];
	_ =	sdelay $0x3  }
0x34: {  	[smem:$0x3FB9] =	sst s10  }
0x35: {  	s10 =	sld [smem:$0x3FB8];
	_ =	sdelay $0x3  }
0x36: {  	p1 =	seq.s32 s10, $0x1;
	s10 =	sld [smem:$0x3FB9];
	_ =	sdelay $0x3  }
0x37: {  	[smem:$0x3FB9] =	sst s10  }
0x38: {  	s10 =	sld [smem:$0x3FBA]  }
0x39: {  	_ = 	snop;
	(pc) =	sbr.ind lr, $3  }
0x3a: {  	_ = 	snop  }
0x3b: {  	_ = 	snop  }
0x3c: {  	p2 =	seq.s32 s10, $0x1;
	s10 =	sld [smem:$0x3FB9]  }
0x3d: {  	_ =	shalt  }
0x3e: {  	_ =	shalt  }
0x3f: {  	_ =	shalt  }
0x40: {  	_ =	shalt  }
0x41: {  	_ =	shalt  }
0x42: {  	_ =	shalt  }
0x43: {  	_ =	shalt  }
0x44: {  	_ =	shalt  }
0x45: {  	_ =	shalt  }
0x46: {  	_ =	shalt  }
0x47: {  	_ =	shalt  }
0x48: {  	_ =	shalt  }
0x49: {  	_ =	shalt  }
0x4a: {  	_ =	shalt  }
0x4b: {  	_ =	shalt  }
0x4c: {  	_ =	shalt  }
0x4d: {  	_ =	shalt  }
0x4e: {  	_ =	shalt  }
0x4f: {  	_ =	shalt  }
0x50: {  	_ =	shalt  }
0x51: {  	_ =	shalt  }
0x52: {  	_ =	shalt  }
0x53: {  	_ =	shalt  }
0x54: {  	_ =	shalt  }
0x55: {  	_ =	shalt  }
0x56: {  	_ =	shalt  }
0x57: {  	_ =	shalt  }
0x58: {  	_ =	shalt  }
0x59: {  	_ =	shalt  }
0x5a: {  	_ =	shalt  }
0x5b: {  	_ =	shalt  }
0x5c: {  	_ =	shalt  }
0x5d: {  	_ =	shalt  }
0x5e: {  	_ =	shalt  }
0x5f: {  	_ =	shalt  }
0x60: {  	_ =	shalt  }
0x61: {  	_ =	shalt  }
0x62: {  	_ =	shalt  }
0x63: {  	_ =	shalt  }
0x64: {  	_ =	shalt  }
0x65: {  	_ =	shalt  }
0x66: {  	_ =	shalt  }
0x67: {  	_ =	shalt  }
0x68: {  	_ =	shalt  }
0x69: {  	_ =	shalt  }
0x6a: {  	_ =	shalt  }
0x6b: {  	_ =	shalt  }
0x6c: {  	_ =	shalt  }
0x6d: {  	_ =	shalt  }
0x6e: {  	_ =	shalt  }
0x6f: {  	_ =	shalt  }
0x70: {  	_ =	shalt  }
0x71: {  	_ =	shalt  }
0x72: {  	_ =	shalt  }
0x73: {  	_ =	shalt  }
0x74: {  	_ =	shalt  }
0x75: {  	_ =	shalt  }
0x76: {  	_ =	shalt  }
0x77: {  	_ =	shalt  }
0x78: {  	_ =	shalt  }
0x79: {  	_ =	shalt  }
0x7a: {  	_ =	shalt  }
0x7b: {  	_ =	shalt  }
0x7c: {  	_ =	shalt  }
0x7d: {  	_ =	shalt  }
0x7e: {  	_ =	shalt  }
0x7f: {  	_ =	shalt  }
0x80: {  	_ =	shalt  }
0x81: {  	_ =	shalt  }
0x82: {  	_ =	shalt  }
0x83: {  	_ =	shalt  }
0x84: {  	_ =	shalt  }
0x85: {  	_ =	shalt  }
0x86: {  	_ =	shalt  }
0x87: {  	_ =	shalt  }
.Lfunc_end0:
.L_simem_size_0:
called_computation_lowered:
.L_overlay_start_0:
0x88: {  	s2 =	sld [smem:$0x3FD9]  }
0x89: {  	s3 =	sld [smem:$0x3FFE];
	_ =	sdelay $0x1  }
0x8a: {  	s1 =	srdreg.scid  }
0x8b: {  	s0 =	sand.u32 $0x1, s1  }
0x8c: {  	s17 =	sshll.u32 s0, $0xA;
	s2 =	sadd.s32 s3, s2  }
0x8d: {  	s2 =	sadd.s32 s2, s17  }
0x8e: {  	[smem:$0x3FC5] =	sst s2  }
0x8f: {  	_ = 	snop  }
0x90: {  	s2 =	sld [smem:$0x3FC8]  }
0x91: {  	s18 =	sld [smem:$0x3FD0];
	(tm) =	ssettm $0x1  }
0x92: {  	s4 =	sld [smem:$0x3FFB];
	_ =	sdelay $0x3  }
0x93: {  	_ =	strace s4  }
0x94: {  	s4 =	sld [smem:$0x3FFC];
	_ =	sdelay $0x3  }
0x95: {  	_ =	strace s4  }
0x96: {  	s4 =	sld [smem:$0x3FFD];
	_ =	sdelay $0x3  }
0x97: {  	_ =	strace s4  }
0x98: {  	_ =	strace $0x8FFFFFFF  }
0x99: {  	s19 =	sld [smem:$0x3FDB];
	_ =	sdelay $0x1  }
0x9a: {  	s5 =	simm.s32 $_scs_section_size  }
0x9b: {  	s6 =	simm.s32 $_size__tile_overlayer_lowered;
	s7 =	simm.s32 $_tile_overlayer_lowered  }
0x9c: {  	s22 =	simm.s32 $0x1BFF;
	s21 =	sshll.u32 s7, $0x1;
	s4 =	sadd.s32 s5, s19  }
0x9d: {  	s8 =	simm.s32 $0x0;
	s20 =	sshll.u32 s6, $0x1;
	s6 =	sadd.s32 s21, s4  }
0x9e: {  	[timem:s8], [sflag:s22] =	dma.local [hbm:s6], s20  }
0x9f: {  	_ =	swait.ge [sflag:s22], s20  }
0xa0: {  	s5 =	ssub.s32 $0x0, s20;
	[sflag:s22] =	ssyncset.done $0x0  }
0xa1: {  	[sflag:s22] =	ssyncadd.s32 s5;
	_ =	sdelay $0x1  }
0xa2: {  	s23 =	simm.s32 $0x1B8B  }
0xa3: {  	_ =	swait.ge [sflag:s23], $0x1  }
0xa4: {  	[sflag:s23] =	ssyncset.done $0x0  }
0xa5: {  	s25 =	simm.s32 $0x1B8E;
	s24 =	sld [smem:$0x3FFE];
	[sflag:s23] =	ssyncadd.s32 $0xFFFFFFFF  }
0xa6: {  	s26 =	simm.s32 $execute0_lowered;
	[smem:$0x3FD2] =	sst s25  }
0xa7: {  	s6 =	sshll.u32 s26, $0x1;
	_ =	strace $0x80000046;
	[dreg:$0x1] =	wrdreg $0xFFFFFFFF  }
0xa8: {  	s28 =	simm.s32 $_size_execute0_lowered;
	s4 =	sadd.s32 s4, s6;
	[dreg:$0x0] =	wrdreg $0x0  }
0xa9: {  	s6 =	sshll.u32 s28, $0x1;
	[dreg:$0x2] =	wrdreg s4  }
0xaa: {  	[dreg:$0x3] =	wrdreg s6  }
0xab: {  	[dreg:$0x4] =	wrdreg $0xC0  }
0xac: {  	_ =	task [dreg:s8], $0x5FFFF  }
0xad: {  	[dreg:$0x1] =	wrdreg $0xFFFFFFFF  }
0xae: {  	[dreg:$0x0] =	wrdreg $0x60  }
0xaf: {  	[dreg:$0x2] =	wrdreg s24  }
0xb0: {  	[dreg:$0x3] =	wrdreg s2  }
0xb1: {  	[dreg:$0x4] =	wrdreg s18  }
0xb2: {  	[dreg:$0x5] =	wrdreg $0x9  }
0xb3: {  	_ =	task.clear_ibuf [dreg:s8], $0x6FFFF;
	_ =	strace $0x90000046  }
0xb4: {  	s29 =	simm.s32 $0x9;
	_ =	strace $0x80000048  }
0xb5: {  	_ =	swait.ge [sflag:s29], $0x1  }
0xb6: {  	[sflag:s29] =	ssyncadd.s32 $0xFFFFFFFF  }
0xb7: {  	_ =	strace $0x90000048  }
0xb8: {  	_ =	sfence  }
0xb9: {  	s30 =	sld [smem:$0x0];
	_ =	sdelay $0x2  }
0xba: {  	s31 =	sshll.u32 s1, $0xD;
	s1 =	sshrl.u32 s1, $0x2  }
0xbb: {  	s3 =	sand.u32 $0x4000, s31;
	s1 =	sadd.s32 s1, s30  }
0xbc: {  	s0 =	sor.u32 s3, s0;
	s1 =	sshll.u32 s1, $0x11  }
0xbd: {  	s0 =	sor.u32 s1, s0  }
0xbe: {  	s0 =	sadd.s32 $0x8F2B, s0  }
0xbf: {  	[sflag:s0] =	ssyncadd.remote.s32 $0x1  }
0xc0: {  	_ =	sfence.sel $0xFFFF  }
0xc1: {  	[dreg:$0x0] =	wrdreg $0xFFFFFFFF;
	(pc) =	sbr.abs _section_cstart, $3  }
0xc2: {  	[dreg:$0x1] =	wrdreg $0xFFFFFFFF  }
0xc3: {  	_ =	task.clear_ibuf [dreg:s8], $0x2FFFF;
	_ =	strace $0x9FFFFFFF  }
0xc4: {  	(tm) =	ssettm $0x7FFFFFFF  }
0xc5: {  	_ =	shalt  }
tec
execute0_lowered:
.L_overlay_start_1:
0x0: {  	(tag) =	ssettag $0x1  }
0x1: {  	s0 =	srdreg.scid;
	s1 =	rddreg [dreg:$0x0]  }
0x2: {  	s2 =	stileid.u32;
	s5 =	rddreg [dreg:$0x1]  }
0x3: {  	s6 =	rddreg [dreg:$0x2];
	s10 =	simm.s32 $0x32;
	s20 =	simm.s32 $0x118  }
0x4: {  	s21 =	simm.s32 $0x13090;
	s22 =	simm.s32 $0x150;
	s23 =	simm.s32 $0x13D10  }
0x5: {  	s24 =	simm.s32 $0x188;
	s28 =	simm.s32 $0x2;
	s29 =	simm.s32 $0x3  }
0x6: {  	s30 =	simm.s32 $0x4;
	s31 =	simm.s32 $0x5;
	s9 =	simm.s32 $0x8  }
0x7: {  	s11 =	simm.s32 $0x7000;
	s12 =	simm.s32 $0x0;
	s0 =	sand.u32 $0x1, s0  }
0x8: {  	s2 =	sshll.u32 s2, $0xA;
	s3 =	sshll.u32 s0, $0x9;
	s0 =	ssub.s32 $0x2, s0  }
0x9: {  	s7 =	sor.u32 s3, s2;
	s2 =	simm.s32 $0x0;
	s8 =	sshrl.u32 s0, $0x1  }
0xa: {  	s3 =	smul.u32 $0x7, s7;
	[smem:$0x7FF] =	sst s2;
	s0 =	ssub.s32 s0, s8  }
.Ltmp0:
0xb: {  	s25 =	sshrl.u32 s7, $0x3;
	s26 =	sshll.u32 s7, $0x3;
	(pc) =	sbr.rel .LBB2_1-.Ltmp0, $4  }
0xc: {  	s8 =	simm.s32 $0x9;
	_ =	strace $0x80000047;
	s5 =	sadd.s32 s5, s25  }
0xd: {  	s6 =	sadd.s32 s6, s26;
	s7 =	smax.u32 s0, $0x1;
	s25 =	simm.s32 $0x14990  }
0xe: {  	s26 =	simm.s32 $0x1;
	s0 =	simm.s32 $0x7;
	s4 =	sadd.s32 s3, s1  }
0xf: {  	s3 =	sadd.s32 $0xF42A00, s1;
	s1 =	simm.s32 $0x6;
	s4 =	sadd.s32 $0x600, s4  }
.LBB2_20:
0x10: {  	s12 =	sadd.s32 $0x1, s12  }
0x11: {  	p0 =	sne.s32 s12, s7  }
.Ltmp1:
0x12: {  	_ = 	snop;
	(pc) =	sbr.rel @!p0 .LBB2_21-.Ltmp1, $4  }
0x13: {  	[hbm4b:s6+s2] =	stream.linear.scatter [tilespmem:s11], [sflag:$0x9], $0x8000, $0x38;
	[tilespmem:$0x15610] =	vst v63  }
0x14: {  	_ =	swait.ge [sflag:s8], $0x8000  }
0x15: {  	[sflag:s8] =	ssyncset.done $0x0  }
0x16: {  	[sflag:s8] =	ssyncadd.s32 $0xFFFF8000  }
.LBB2_1:
0x17: {  	[tilespmem:s2], [sflag:$0x9] =	stream.linear.gather [hbm4b:s4+s2], $0x7000, $0x38;
	[tilespmem:$0x15610] =	vst v63  }
0x18: {  	_ =	swait.ge [sflag:s8], $0x7000  }
0x19: {  	[sflag:s8] =	ssyncset.done $0x0  }
0x1a: {  	s13 =	simm.s32 $0xF000;
	[sflag:s8] =	ssyncadd.s32 $0xFFFF9000  }
0x1b: {  	[tilespmem:s13], [sflag:$0x9] =	stream.linear.gather [hbm4b:s5+s2], $0x200, $0x38;
	[tilespmem:$0x15610] =	vst v63  }
0x1c: {  	_ =	swait.ge [sflag:s8], $0x200  }
0x1d: {  	[sflag:s8] =	ssyncset.done $0x0  }
0x1e: {  	s18 =	simm.s32 $0xF210;
	[sflag:s8] =	ssyncadd.s32 $0xFFFFFE00  }
0x1f: {  	[tilespmem:s18], [sflag:$0x1] =	stream.indirect.gather [hbm4b:s3+s10], $0x40, s2, s10, $0xb8;
	[tilespmem:$0x15610] =	vst v63  }
0x20: {  	s19 =	simm.s32 $0x38;
	s14 =	simm.s32 $0xFE90  }
0x21: {  	[tilespmem:s14], [sflag:$0x2] =	stream.indirect.gather [hbm4b:s3+s10], $0x40, s19, s10, $0xb8;
	[tilespmem:$0x15610] =	vst v63  }
0x22: {  	s15 =	simm.s32 $0x10B10;
	s14 =	simm.s32 $0x70  }
0x23: {  	[tilespmem:s15], [sflag:$0x3] =	stream.indirect.gather [hbm4b:s3+s10], $0x40, s14, s10, $0xb8;
	[tilespmem:$0x15610] =	vst v63  }
0x24: {  	s16 =	simm.s32 $0xA8;
	s17 =	simm.s32 $0x11790  }
0x25: {  	[tilespmem:s17], [sflag:$0x4] =	stream.indirect.gather [hbm4b:s3+s10], $0x40, s16, s10, $0xb8;
	[tilespmem:$0x15610] =	vst v63  }
0x26: {  	s18 =	simm.s32 $0xE0;
	s19 =	simm.s32 $0x12410  }
0x27: {  	[tilespmem:s19], [sflag:$0x5] =	stream.indirect.gather [hbm4b:s3+s10], $0x40, s18, s10, $0xb8;
	[tilespmem:$0x15610] =	vst v63  }
0x28: {  	_ = 	snop  }
0x29: {  	[tilespmem:s21], [sflag:$0x6] =	stream.indirect.gather [hbm4b:s3+s10], $0x40, s20, s10, $0xb8;
	[tilespmem:$0x15610] =	vst v63  }
0x2a: {  	_ = 	snop  }
0x2b: {  	[tilespmem:s23], [sflag:$0x7] =	stream.indirect.gather [hbm4b:s3+s10], $0x40, s22, s10, $0xb8;
	[tilespmem:$0x15610] =	vst v63  }
0x2c: {  	s13 =	simm.s32 $0x0  }
0x2d: {  	[tilespmem:s25], [sflag:$0x8] =	stream.indirect.gather [hbm4b:s3+s10], $0x40, s24, s10, $0xb8;
	[tilespmem:$0x15610] =	vst v63  }
.LBB2_2:
0x2e: {  	_ =	swait.ge [sflag:s26], $0xC80  }
0x2f: {  	s14 =	sshll.u32 s13, $0x3;
	[sflag:s26] =	ssyncset.done $0x0  }
0x30: {  	s15 =	sand.u32 $0x3FFFFFF8, s14;
	[sflag:s26] =	ssyncadd.s32 $0xFFFFF380  }
0x31: {  	s14 =	simm.s32 $0x0;
	v4 =	vld [tilespmem:s15+$0xF000]  }
0x32: {  	v0 =	vld [tilespmem:s14+$0xF310]  }
0x33: {  	v1 =	vld [tilespmem:s14+$0xF320]  }
0x34: {  	v2 =	vld [tilespmem:s14+$0xF2D0]  }
0x35: {  	v3 =	vld [tilespmem:s14+$0xF2E0]  }
0x36: {  	v5 =	vld [tilespmem:s14+$0xF290]  }
0x37: {  	v6 =	vld [tilespmem:s14+$0xF2A0]  }
0x38: {  	v7 =	vld [tilespmem:s14+$0xF250]  }
0x39: {  	v8 =	vld [tilespmem:s14+$0xF260]  }
0x3a: {  	v14 =	vld [tilespmem:s14+$0xF210]  }
0x3b: {  	v10 =	vimm.f32 $0.0e+00;
	v15 =	vld [tilespmem:s14+$0xF220]  }
0x3c: {  	s16 =	simm.s32 $0x500;
	v12 =	vimm.f32 $0.0e+00;
	v11 =	vimm.f32 $0.0e+00;
	v9 =	vimm.f32 $0.0e+00;
	v13 =	vld [tilespmem:s14+$0xF230]  }
.LBB2_3:
0x3d: {  	p0 =	sne.s32 s16, $0x2D00;
	v16 =	vld [tilespmem:s14+$0xF240]  }
0x3e: {  	v17 =	vld [tilespmem:s14+$0xF270]  }
0x3f: {  	v18 =	vld [tilespmem:s14+$0xF280]  }
0x40: {  	v19 =	vld [tilespmem:s14+$0xF2B0]  }
0x41: {  	v10 =	vadd.f32 v14, v10;
	v12 =	vadd.f32 v15, v12;
	v14 =	vld [tilespmem:s14+$0xF2C0]  }
0x42: {  	v11 =	vadd.f32 v13, v11;
	v9 =	vadd.f32 v16, v9;
	v13 =	vld [tilespmem:s14+$0xF2F0]  }
0x43: {  	v7 =	vadd.f32 v7, v10;
	v8 =	vadd.f32 v8, v12;
	v10 =	vld [tilespmem:s14+$0xF300]  }
0x44: {  	v11 =	vadd.f32 v17, v11;
	v9 =	vadd.f32 v18, v9;
	v15 =	vld [tilespmem:s14+$0xF330]  }
0x45: {  	v5 =	vadd.f32 v5, v7;
	v6 =	vadd.f32 v6, v8;
	v7 =	vld [tilespmem:s14+$0xF340];
	s14 =	sshra.s32 s16, $0x2  }
0x46: {  	v11 =	vadd.f32 v19, v11;
	v8 =	vld [tilespmem:s14+$0xF310];
	v9 =	vadd.f32 v14, v9  }
0x47: {  	v5 =	vadd.f32 v2, v5;
	v6 =	vadd.f32 v3, v6;
	v14 =	vld [tilespmem:s14+$0xF320]  }
0x48: {  	v11 =	vadd.f32 v13, v11;
	v2 =	vld [tilespmem:s14+$0xF2D0];
	v9 =	vadd.f32 v10, v9  }
0x49: {  	v10 =	vadd.f32 v0, v5;
	v12 =	vadd.f32 v1, v6;
	v3 =	vld [tilespmem:s14+$0xF2E0]  }
0x4a: {  	v11 =	vadd.f32 v15, v11;
	v5 =	vld [tilespmem:s14+$0xF290];
	v9 =	vadd.f32 v7, v9  }
0x4b: {  	v6 =	vld [tilespmem:s14+$0xF2A0];
	v0 =	vmov v8  }
.Ltmp2:
0x4c: {  	v7 =	vld [tilespmem:s14+$0xF250];
	v1 =	vmov v14;
	(pc) =	sbr.rel @p0 .LBB2_3-.Ltmp2, $4  }
0x4d: {  	v8 =	vld [tilespmem:s14+$0xF260]  }
0x4e: {  	v14 =	vld [tilespmem:s14+$0xF210]  }
0x4f: {  	v15 =	vld [tilespmem:s14+$0xF220]  }
0x50: {  	s16 =	sadd.s32 $0x500, s16;
	v13 =	vld [tilespmem:s14+$0xF230]  }
0x51: {  	_ =	sdelay $0x1  }
0x52: {  	v16 =	vld [tilespmem:s14+$0xF240];
	v4 =	vbroadcast v4, $0x0  }
0x53: {  	v17 =	vld [tilespmem:s14+$0xF270];
	v12 =	vadd.f32 v15, v12  }
0x54: {  	v18 =	vld [tilespmem:s14+$0xF280];
	v10 =	vadd.f32 v14, v10;
	(erf) = vrcp.f32 v4  }
0x55: {  	v4 =	vld [tilespmem:s14+$0xF2B0];
	v8 =	vadd.f32 v8, v12  }
0x56: {  	v14 =	vld [tilespmem:s14+$0xF2C0];
	v11 =	vadd.f32 v13, v11;
	v7 =	vadd.f32 v7, v10  }
0x57: {  	v10 =	vld [tilespmem:s14+$0xF2F0];
	v9 =	vadd.f32 v16, v9;
	v6 =	vadd.f32 v6, v8  }
0x58: {  	v12 =	vld [tilespmem:s14+$0xF300];
	v11 =	vadd.f32 v17, v11;
	v5 =	vadd.f32 v5, v7  }
0x59: {  	v7 =	vadd.f32 v18, v9;
	v9 =	vld [tilespmem:s14+$0xF330];
	v3 =	vadd.f32 v3, v6  }
0x5a: {  	v8 =	vld [tilespmem:s14+$0xF340];
	v4 =	vadd.f32 v4, v11;
	v2 =	vadd.f32 v2, v5  }
0x5b: {  	v5 =	vadd.f32 v14, v7  }
0x5c: {  	v4 =	vadd.f32 v10, v4;
	v0 =	vadd.f32 v0, v2  }
0x5d: {  	v2 =	vadd.f32 v12, v5;
	v1 =	vadd.f32 v1, v3;
	v3 =	vpop (erf)  }
0x5e: {  	s19 =	sshll.u32 s13, $0x9;
	v4 =	vadd.f32 v9, v4;
	v0 =	vmul.f32 v0, v3  }
0x5f: {  	p0 =	seq.s32 s13, $0x3F;
	s14 =	sand.u32 $0x3FFFFE00, s19;
	v2 =	vadd.f32 v8, v2;
	v1 =	vmul.f32 v1, v3  }
0x60: {  	s16 =	smul.u32 @!p0 $0x700, s13;
	[tilespmem:s14+$0x7000] =	vst v0;
	v0 =	vmul.f32 v4, v3  }
0x61: {  	[tilespmem:s14+$0x7010] =	vst v1;
	v1 =	vmul.f32 v2, v3  }
0x62: {  	s16 =	sshra.s32 @!p0 s16, $0x2;
	[tilespmem:s14+$0x7020] =	vst v0  }
0x63: {  	s18 =	simm.s32 @!p0 $0x32;
	s17 =	sadd.s32 @!p0 $0x1C0, s16;
	s19 =	simm.s32 @!p0 $0xF210;
	[tilespmem:s14+$0x7030] =	vst v1  }
0x64: {  	[tilespmem:s19], [sflag:$0x1] =	stream.indirect.gather @!p0 [hbm4b:s3+s18], $0x40, s17, s18, $0xb8;
	[tilespmem:$0x15610] =	vst v63  }
0x65: {  	_ =	swait.ge [sflag:s28], $0xC80  }
0x66: {  	[sflag:s28] =	ssyncset.done $0x0  }
0x67: {  	[sflag:s28] =	ssyncadd.s32 $0xFFFFF380  }
0x68: {  	s17 =	simm.s32 $0x0;
	v4 =	vld [tilespmem:s15+$0xF001]  }
0x69: {  	v0 =	vld [tilespmem:s17+$0xFF90]  }
0x6a: {  	v1 =	vld [tilespmem:s17+$0xFFA0]  }
0x6b: {  	v2 =	vld [tilespmem:s17+$0xFF50]  }
0x6c: {  	v3 =	vld [tilespmem:s17+$0xFF60]  }
0x6d: {  	v5 =	vld [tilespmem:s17+$0xFF10]  }
0x6e: {  	v6 =	vld [tilespmem:s17+$0xFF20]  }
0x6f: {  	v7 =	vld [tilespmem:s17+$0xFED0]  }
0x70: {  	v8 =	vld [tilespmem:s17+$0xFEE0]  }
0x71: {  	v14 =	vld [tilespmem:s17+$0xFE90]  }
0x72: {  	v11 =	vimm.f32 $0.0e+00;
	v15 =	vld [tilespmem:s17+$0xFEA0]  }
0x73: {  	v10 =	vimm.f32 $0.0e+00;
	v12 =	vimm.f32 $0.0e+00;
	v9 =	vimm.f32 $0.0e+00;
	s18 =	simm.s32 $0x500;
	v13 =	vld [tilespmem:s17+$0xFEB0]  }
.LBB2_5:
0x74: {  	p1 =	sne.s32 s18, $0x2D00;
	v16 =	vld [tilespmem:s17+$0xFEC0]  }
0x75: {  	v17 =	vld [tilespmem:s17+$0xFEF0]  }
0x76: {  	v18 =	vld [tilespmem:s17+$0xFF00]  }
0x77: {  	v19 =	vld [tilespmem:s17+$0xFF30]  }
0x78: {  	v10 =	vadd.f32 v14, v10;
	v12 =	vadd.f32 v15, v12;
	v14 =	vld [tilespmem:s17+$0xFF40]  }
0x79: {  	v11 =	vadd.f32 v13, v11;
	v9 =	vadd.f32 v16, v9;
	v13 =	vld [tilespmem:s17+$0xFF70]  }
0x7a: {  	v7 =	vadd.f32 v7, v10;
	v8 =	vadd.f32 v8, v12;
	v10 =	vld [tilespmem:s17+$0xFF80]  }
0x7b: {  	v11 =	vadd.f32 v17, v11;
	v9 =	vadd.f32 v18, v9;
	v15 =	vld [tilespmem:s17+$0xFFB0]  }
0x7c: {  	v5 =	vadd.f32 v5, v7;
	v6 =	vadd.f32 v6, v8;
	v7 =	vld [tilespmem:s17+$0xFFC0];
	s17 =	sshra.s32 s18, $0x2  }
0x7d: {  	v11 =	vadd.f32 v19, v11;
	v8 =	vld [tilespmem:s17+$0xFF90];
	v9 =	vadd.f32 v14, v9  }
0x7e: {  	v5 =	vadd.f32 v2, v5;
	v6 =	vadd.f32 v3, v6;
	v14 =	vld [tilespmem:s17+$0xFFA0]  }
0x7f: {  	v11 =	vadd.f32 v13, v11;
	v2 =	vld [tilespmem:s17+$0xFF50];
	v9 =	vadd.f32 v10, v9  }
0x80: {  	v10 =	vadd.f32 v0, v5;
	v12 =	vadd.f32 v1, v6;
	v3 =	vld [tilespmem:s17+$0xFF60]  }
0x81: {  	v11 =	vadd.f32 v15, v11;
	v5 =	vld [tilespmem:s17+$0xFF10];
	v9 =	vadd.f32 v7, v9  }
0x82: {  	v6 =	vld [tilespmem:s17+$0xFF20];
	v0 =	vmov v8  }
.Ltmp3:
0x83: {  	v7 =	vld [tilespmem:s17+$0xFED0];
	v1 =	vmov v14;
	(pc) =	sbr.rel @p1 .LBB2_5-.Ltmp3, $4  }
0x84: {  	v8 =	vld [tilespmem:s17+$0xFEE0]  }
0x85: {  	v14 =	vld [tilespmem:s17+$0xFE90]  }
0x86: {  	v15 =	vld [tilespmem:s17+$0xFEA0]  }
0x87: {  	s18 =	sadd.s32 $0x500, s18;
	v13 =	vld [tilespmem:s17+$0xFEB0]  }
0x88: {  	_ =	sdelay $0x1  }
0x89: {  	v16 =	vld [tilespmem:s17+$0xFEC0];
	v4 =	vbroadcast v4, $0x0  }
0x8a: {  	v17 =	vld [tilespmem:s17+$0xFEF0];
	v12 =	vadd.f32 v15, v12  }
0x8b: {  	v18 =	vld [tilespmem:s17+$0xFF00];
	v10 =	vadd.f32 v14, v10;
	(erf) = vrcp.f32 v4  }
0x8c: {  	v4 =	vld [tilespmem:s17+$0xFF30];
	v8 =	vadd.f32 v8, v12  }
0x8d: {  	v14 =	vld [tilespmem:s17+$0xFF40];
	v11 =	vadd.f32 v13, v11;
	v7 =	vadd.f32 v7, v10  }
0x8e: {  	v10 =	vld [tilespmem:s17+$0xFF70];
	v9 =	vadd.f32 v16, v9;
	v6 =	vadd.f32 v6, v8  }
0x8f: {  	v12 =	vld [tilespmem:s17+$0xFF80];
	v11 =	vadd.f32 v17, v11;
	v5 =	vadd.f32 v5, v7  }
0x90: {  	v7 =	vadd.f32 v18, v9;
	v9 =	vld [tilespmem:s17+$0xFFB0];
	v3 =	vadd.f32 v3, v6  }
0x91: {  	v8 =	vld [tilespmem:s17+$0xFFC0];
	v4 =	vadd.f32 v4, v11;
	v2 =	vadd.f32 v2, v5  }
0x92: {  	v5 =	vadd.f32 v14, v7  }
0x93: {  	v4 =	vadd.f32 v10, v4;
	v0 =	vadd.f32 v0, v2  }
0x94: {  	v2 =	vadd.f32 v12, v5;
	v1 =	vadd.f32 v1, v3;
	v3 =	vpop (erf)  }
0x95: {  	v4 =	vadd.f32 v9, v4;
	v0 =	vmul.f32 v0, v3  }
0x96: {  	v2 =	vadd.f32 v8, v2;
	v1 =	vmul.f32 v1, v3  }
0x97: {  	[tilespmem:s14+$0x7040] =	vst v0;
	v0 =	vmul.f32 v4, v3  }
0x98: {  	[tilespmem:s14+$0x7050] =	vst v1;
	v1 =	vmul.f32 v2, v3  }
0x99: {  	[tilespmem:s14+$0x7060] =	vst v0  }
0x9a: {  	s18 =	simm.s32 @!p0 $0x32;
	s19 =	simm.s32 @!p0 $0xFE90;
	s17 =	sadd.s32 @!p0 $0x1F8, s16;
	[tilespmem:s14+$0x7070] =	vst v1  }
0x9b: {  	[tilespmem:s19], [sflag:$0x2] =	stream.indirect.gather @!p0 [hbm4b:s3+s18], $0x40, s17, s18, $0xb8;
	[tilespmem:$0x15610] =	vst v63  }
0x9c: {  	_ =	swait.ge [sflag:s29], $0xC80  }
0x9d: {  	[sflag:s29] =	ssyncset.done $0x0  }
0x9e: {  	[sflag:s29] =	ssyncadd.s32 $0xFFFFF380  }
0x9f: {  	s17 =	simm.s32 $0x0;
	v4 =	vld [tilespmem:s15+$0xF002]  }
0xa0: {  	v0 =	vld [tilespmem:s17+$0x10C10]  }
0xa1: {  	v1 =	vld [tilespmem:s17+$0x10C20]  }
0xa2: {  	v2 =	vld [tilespmem:s17+$0x10BD0]  }
0xa3: {  	v3 =	vld [tilespmem:s17+$0x10BE0]  }
0xa4: {  	v5 =	vld [tilespmem:s17+$0x10B90]  }
0xa5: {  	v6 =	vld [tilespmem:s17+$0x10BA0]  }
0xa6: {  	v7 =	vld [tilespmem:s17+$0x10B50]  }
0xa7: {  	v8 =	vld [tilespmem:s17+$0x10B60]  }
0xa8: {  	v14 =	vld [tilespmem:s17+$0x10B10]  }
0xa9: {  	v11 =	vimm.f32 $0.0e+00;
	v15 =	vld [tilespmem:s17+$0x10B20]  }
0xaa: {  	v10 =	vimm.f32 $0.0e+00;
	v12 =	vimm.f32 $0.0e+00;
	v9 =	vimm.f32 $0.0e+00;
	s18 =	simm.s32 $0x500;
	v13 =	vld [tilespmem:s17+$0x10B30]  }
.LBB2_7:
0xab: {  	p1 =	sne.s32 s18, $0x2D00;
	v16 =	vld [tilespmem:s17+$0x10B40]  }
0xac: {  	v17 =	vld [tilespmem:s17+$0x10B70]  }
0xad: {  	v18 =	vld [tilespmem:s17+$0x10B80]  }
0xae: {  	v19 =	vld [tilespmem:s17+$0x10BB0]  }
0xaf: {  	v10 =	vadd.f32 v14, v10;
	v12 =	vadd.f32 v15, v12;
	v14 =	vld [tilespmem:s17+$0x10BC0]  }
0xb0: {  	v11 =	vadd.f32 v13, v11;
	v9 =	vadd.f32 v16, v9;
	v13 =	vld [tilespmem:s17+$0x10BF0]  }
0xb1: {  	v7 =	vadd.f32 v7, v10;
	v8 =	vadd.f32 v8, v12;
	v10 =	vld [tilespmem:s17+$0x10C00]  }
0xb2: {  	v11 =	vadd.f32 v17, v11;
	v9 =	vadd.f32 v18, v9;
	v15 =	vld [tilespmem:s17+$0x10C30]  }
0xb3: {  	v5 =	vadd.f32 v5, v7;
	v6 =	vadd.f32 v6, v8;
	v7 =	vld [tilespmem:s17+$0x10C40];
	s17 =	sshra.s32 s18, $0x2  }
0xb4: {  	v11 =	vadd.f32 v19, v11;
	v8 =	vld [tilespmem:s17+$0x10C10];
	v9 =	vadd.f32 v14, v9  }
0xb5: {  	v5 =	vadd.f32 v2, v5;
	v6 =	vadd.f32 v3, v6;
	v14 =	vld [tilespmem:s17+$0x10C20]  }
0xb6: {  	v11 =	vadd.f32 v13, v11;
	v2 =	vld [tilespmem:s17+$0x10BD0];
	v9 =	vadd.f32 v10, v9  }
0xb7: {  	v10 =	vadd.f32 v0, v5;
	v12 =	vadd.f32 v1, v6;
	v3 =	vld [tilespmem:s17+$0x10BE0]  }
0xb8: {  	v11 =	vadd.f32 v15, v11;
	v5 =	vld [tilespmem:s17+$0x10B90];
	v9 =	vadd.f32 v7, v9  }
0xb9: {  	v6 =	vld [tilespmem:s17+$0x10BA0];
	v0 =	vmov v8  }
.Ltmp4:
0xba: {  	v7 =	vld [tilespmem:s17+$0x10B50];
	v1 =	vmov v14;
	(pc) =	sbr.rel @p1 .LBB2_7-.Ltmp4, $4  }
0xbb: {  	v8 =	vld [tilespmem:s17+$0x10B60]  }
0xbc: {  	v14 =	vld [tilespmem:s17+$0x10B10]  }
0xbd: {  	v15 =	vld [tilespmem:s17+$0x10B20]  }
0xbe: {  	s18 =	sadd.s32 $0x500, s18;
	v13 =	vld [tilespmem:s17+$0x10B30]  }
0xbf: {  	_ =	sdelay $0x1  }
0xc0: {  	v16 =	vld [tilespmem:s17+$0x10B40];
	v4 =	vbroadcast v4, $0x0  }
0xc1: {  	v17 =	vld [tilespmem:s17+$0x10B70];
	v12 =	vadd.f32 v15, v12  }
0xc2: {  	v18 =	vld [tilespmem:s17+$0x10B80];
	v10 =	vadd.f32 v14, v10;
	(erf) = vrcp.f32 v4  }
0xc3: {  	v4 =	vld [tilespmem:s17+$0x10BB0];
	v8 =	vadd.f32 v8, v12  }
0xc4: {  	v14 =	vld [tilespmem:s17+$0x10BC0];
	v11 =	vadd.f32 v13, v11;
	v7 =	vadd.f32 v7, v10  }
0xc5: {  	v10 =	vld [tilespmem:s17+$0x10BF0];
	v9 =	vadd.f32 v16, v9;
	v6 =	vadd.f32 v6, v8  }
0xc6: {  	v12 =	vld [tilespmem:s17+$0x10C00];
	v11 =	vadd.f32 v17, v11;
	v5 =	vadd.f32 v5, v7  }
0xc7: {  	v7 =	vadd.f32 v18, v9;
	v9 =	vld [tilespmem:s17+$0x10C30];
	v3 =	vadd.f32 v3, v6  }
0xc8: {  	v8 =	vld [tilespmem:s17+$0x10C40];
	v4 =	vadd.f32 v4, v11;
	v2 =	vadd.f32 v2, v5  }
0xc9: {  	v5 =	vadd.f32 v14, v7  }
0xca: {  	v4 =	vadd.f32 v10, v4;
	v0 =	vadd.f32 v0, v2  }
0xcb: {  	v2 =	vadd.f32 v12, v5;
	v1 =	vadd.f32 v1, v3;
	v3 =	vpop (erf)  }
0xcc: {  	v4 =	vadd.f32 v9, v4;
	v0 =	vmul.f32 v0, v3  }
0xcd: {  	v2 =	vadd.f32 v8, v2;
	v1 =	vmul.f32 v1, v3  }
0xce: {  	[tilespmem:s14+$0x7080] =	vst v0;
	v0 =	vmul.f32 v4, v3  }
0xcf: {  	[tilespmem:s14+$0x7090] =	vst v1;
	v1 =	vmul.f32 v2, v3  }
0xd0: {  	[tilespmem:s14+$0x70A0] =	vst v0  }
0xd1: {  	s18 =	simm.s32 @!p0 $0x32;
	s19 =	simm.s32 @!p0 $0x10B10;
	s17 =	sadd.s32 @!p0 $0x230, s16;
	[tilespmem:s14+$0x70B0] =	vst v1  }
0xd2: {  	[tilespmem:s19], [sflag:$0x3] =	stream.indirect.gather @!p0 [hbm4b:s3+s18], $0x40, s17, s18, $0xb8;
	[tilespmem:$0x15610] =	vst v63  }
0xd3: {  	_ =	swait.ge [sflag:s30], $0xC80  }
0xd4: {  	[sflag:s30] =	ssyncset.done $0x0  }
0xd5: {  	[sflag:s30] =	ssyncadd.s32 $0xFFFFF380  }
0xd6: {  	s17 =	simm.s32 $0x0;
	v4 =	vld [tilespmem:s15+$0xF003]  }
0xd7: {  	v0 =	vld [tilespmem:s17+$0x11890]  }
0xd8: {  	v1 =	vld [tilespmem:s17+$0x118A0]  }
0xd9: {  	v2 =	vld [tilespmem:s17+$0x11850]  }
0xda: {  	v3 =	vld [tilespmem:s17+$0x11860]  }
0xdb: {  	v5 =	vld [tilespmem:s17+$0x11810]  }
0xdc: {  	v6 =	vld [tilespmem:s17+$0x11820]  }
0xdd: {  	v7 =	vld [tilespmem:s17+$0x117D0]  }
0xde: {  	v8 =	vld [tilespmem:s17+$0x117E0]  }
0xdf: {  	v14 =	vld [tilespmem:s17+$0x11790]  }
0xe0: {  	v11 =	vimm.f32 $0.0e+00;
	v15 =	vld [tilespmem:s17+$0x117A0]  }
0xe1: {  	v10 =	vimm.f32 $0.0e+00;
	v12 =	vimm.f32 $0.0e+00;
	v9 =	vimm.f32 $0.0e+00;
	s18 =	simm.s32 $0x500;
	v13 =	vld [tilespmem:s17+$0x117B0]  }
.LBB2_9:
0xe2: {  	p1 =	sne.s32 s18, $0x2D00;
	v16 =	vld [tilespmem:s17+$0x117C0]  }
0xe3: {  	v17 =	vld [tilespmem:s17+$0x117F0]  }
0xe4: {  	v18 =	vld [tilespmem:s17+$0x11800]  }
0xe5: {  	v19 =	vld [tilespmem:s17+$0x11830]  }
0xe6: {  	v10 =	vadd.f32 v14, v10;
	v12 =	vadd.f32 v15, v12;
	v14 =	vld [tilespmem:s17+$0x11840]  }
0xe7: {  	v11 =	vadd.f32 v13, v11;
	v9 =	vadd.f32 v16, v9;
	v13 =	vld [tilespmem:s17+$0x11870]  }
0xe8: {  	v7 =	vadd.f32 v7, v10;
	v8 =	vadd.f32 v8, v12;
	v10 =	vld [tilespmem:s17+$0x11880]  }
0xe9: {  	v11 =	vadd.f32 v17, v11;
	v9 =	vadd.f32 v18, v9;
	v15 =	vld [tilespmem:s17+$0x118B0]  }
0xea: {  	v5 =	vadd.f32 v5, v7;
	v6 =	vadd.f32 v6, v8;
	v7 =	vld [tilespmem:s17+$0x118C0];
	s17 =	sshra.s32 s18, $0x2  }
0xeb: {  	v11 =	vadd.f32 v19, v11;
	v8 =	vld [tilespmem:s17+$0x11890];
	v9 =	vadd.f32 v14, v9  }
0xec: {  	v5 =	vadd.f32 v2, v5;
	v6 =	vadd.f32 v3, v6;
	v14 =	vld [tilespmem:s17+$0x118A0]  }
0xed: {  	v11 =	vadd.f32 v13, v11;
	v2 =	vld [tilespmem:s17+$0x11850];
	v9 =	vadd.f32 v10, v9  }
0xee: {  	v10 =	vadd.f32 v0, v5;
	v12 =	vadd.f32 v1, v6;
	v3 =	vld [tilespmem:s17+$0x11860]  }
0xef: {  	v11 =	vadd.f32 v15, v11;
	v5 =	vld [tilespmem:s17+$0x11810];
	v9 =	vadd.f32 v7, v9  }
0xf0: {  	v6 =	vld [tilespmem:s17+$0x11820];
	v0 =	vmov v8  }
.Ltmp5:
0xf1: {  	v7 =	vld [tilespmem:s17+$0x117D0];
	v1 =	vmov v14;
	(pc) =	sbr.rel @p1 .LBB2_9-.Ltmp5, $4  }
0xf2: {  	v8 =	vld [tilespmem:s17+$0x117E0]  }
0xf3: {  	v14 =	vld [tilespmem:s17+$0x11790]  }
0xf4: {  	v15 =	vld [tilespmem:s17+$0x117A0]  }
0xf5: {  	s18 =	sadd.s32 $0x500, s18;
	v13 =	vld [tilespmem:s17+$0x117B0]  }
0xf6: {  	_ =	sdelay $0x1  }
0xf7: {  	v16 =	vld [tilespmem:s17+$0x117C0];
	v4 =	vbroadcast v4, $0x0  }
0xf8: {  	v17 =	vld [tilespmem:s17+$0x117F0];
	v12 =	vadd.f32 v15, v12  }
0xf9: {  	v18 =	vld [tilespmem:s17+$0x11800];
	v10 =	vadd.f32 v14, v10;
	(erf) = vrcp.f32 v4  }
0xfa: {  	v4 =	vld [tilespmem:s17+$0x11830];
	v8 =	vadd.f32 v8, v12  }
0xfb: {  	v14 =	vld [tilespmem:s17+$0x11840];
	v11 =	vadd.f32 v13, v11;
	v7 =	vadd.f32 v7, v10  }
0xfc: {  	v10 =	vld [tilespmem:s17+$0x11870];
	v9 =	vadd.f32 v16, v9;
	v6 =	vadd.f32 v6, v8  }
0xfd: {  	v12 =	vld [tilespmem:s17+$0x11880];
	v11 =	vadd.f32 v17, v11;
	v5 =	vadd.f32 v5, v7  }
0xfe: {  	v7 =	vadd.f32 v18, v9;
	v9 =	vld [tilespmem:s17+$0x118B0];
	v3 =	vadd.f32 v3, v6  }
0xff: {  	v8 =	vld [tilespmem:s17+$0x118C0];
	v4 =	vadd.f32 v4, v11;
	v2 =	vadd.f32 v2, v5  }
0x100: {  	v5 =	vadd.f32 v14, v7  }
0x101: {  	v4 =	vadd.f32 v10, v4;
	v0 =	vadd.f32 v0, v2  }
0x102: {  	v2 =	vadd.f32 v12, v5;
	v1 =	vadd.f32 v1, v3;
	v3 =	vpop (erf)  }
0x103: {  	v4 =	vadd.f32 v9, v4;
	v0 =	vmul.f32 v0, v3  }
0x104: {  	v2 =	vadd.f32 v8, v2;
	v1 =	vmul.f32 v1, v3  }
0x105: {  	[tilespmem:s14+$0x70C0] =	vst v0;
	v0 =	vmul.f32 v4, v3  }
0x106: {  	[tilespmem:s14+$0x70D0] =	vst v1;
	v1 =	vmul.f32 v2, v3  }
0x107: {  	[tilespmem:s14+$0x70E0] =	vst v0  }
0x108: {  	s18 =	simm.s32 @!p0 $0x32;
	s19 =	simm.s32 @!p0 $0x11790;
	s17 =	sadd.s32 @!p0 $0x268, s16;
	[tilespmem:s14+$0x70F0] =	vst v1  }
0x109: {  	[tilespmem:s19], [sflag:$0x4] =	stream.indirect.gather @!p0 [hbm4b:s3+s18], $0x40, s17, s18, $0xb8;
	[tilespmem:$0x15610] =	vst v63  }
0x10a: {  	_ =	swait.ge [sflag:s31], $0xC80  }
0x10b: {  	[sflag:s31] =	ssyncset.done $0x0  }
0x10c: {  	[sflag:s31] =	ssyncadd.s32 $0xFFFFF380  }
0x10d: {  	s17 =	simm.s32 $0x0;
	v4 =	vld [tilespmem:s15+$0xF004]  }
0x10e: {  	v0 =	vld [tilespmem:s17+$0x12510]  }
0x10f: {  	v1 =	vld [tilespmem:s17+$0x12520]  }
0x110: {  	v2 =	vld [tilespmem:s17+$0x124D0]  }
0x111: {  	v3 =	vld [tilespmem:s17+$0x124E0]  }
0x112: {  	v5 =	vld [tilespmem:s17+$0x12490]  }
0x113: {  	v6 =	vld [tilespmem:s17+$0x124A0]  }
0x114: {  	v7 =	vld [tilespmem:s17+$0x12450]  }
0x115: {  	v8 =	vld [tilespmem:s17+$0x12460]  }
0x116: {  	v14 =	vld [tilespmem:s17+$0x12410]  }
0x117: {  	v11 =	vimm.f32 $0.0e+00;
	v15 =	vld [tilespmem:s17+$0x12420]  }
0x118: {  	v10 =	vimm.f32 $0.0e+00;
	v12 =	vimm.f32 $0.0e+00;
	v9 =	vimm.f32 $0.0e+00;
	s18 =	simm.s32 $0x500;
	v13 =	vld [tilespmem:s17+$0x12430]  }
.LBB2_11:
0x119: {  	p1 =	sne.s32 s18, $0x2D00;
	v16 =	vld [tilespmem:s17+$0x12440]  }
0x11a: {  	v17 =	vld [tilespmem:s17+$0x12470]  }
0x11b: {  	v18 =	vld [tilespmem:s17+$0x12480]  }
0x11c: {  	v19 =	vld [tilespmem:s17+$0x124B0]  }
0x11d: {  	v10 =	vadd.f32 v14, v10;
	v12 =	vadd.f32 v15, v12;
	v14 =	vld [tilespmem:s17+$0x124C0]  }
0x11e: {  	v11 =	vadd.f32 v13, v11;
	v9 =	vadd.f32 v16, v9;
	v13 =	vld [tilespmem:s17+$0x124F0]  }
0x11f: {  	v7 =	vadd.f32 v7, v10;
	v8 =	vadd.f32 v8, v12;
	v10 =	vld [tilespmem:s17+$0x12500]  }
0x120: {  	v11 =	vadd.f32 v17, v11;
	v9 =	vadd.f32 v18, v9;
	v15 =	vld [tilespmem:s17+$0x12530]  }
0x121: {  	v5 =	vadd.f32 v5, v7;
	v6 =	vadd.f32 v6, v8;
	v7 =	vld [tilespmem:s17+$0x12540];
	s17 =	sshra.s32 s18, $0x2  }
0x122: {  	v11 =	vadd.f32 v19, v11;
	v8 =	vld [tilespmem:s17+$0x12510];
	v9 =	vadd.f32 v14, v9  }
0x123: {  	v5 =	vadd.f32 v2, v5;
	v6 =	vadd.f32 v3, v6;
	v14 =	vld [tilespmem:s17+$0x12520]  }
0x124: {  	v11 =	vadd.f32 v13, v11;
	v2 =	vld [tilespmem:s17+$0x124D0];
	v9 =	vadd.f32 v10, v9  }
0x125: {  	v10 =	vadd.f32 v0, v5;
	v12 =	vadd.f32 v1, v6;
	v3 =	vld [tilespmem:s17+$0x124E0]  }
0x126: {  	v11 =	vadd.f32 v15, v11;
	v5 =	vld [tilespmem:s17+$0x12490];
	v9 =	vadd.f32 v7, v9  }
0x127: {  	v6 =	vld [tilespmem:s17+$0x124A0];
	v0 =	vmov v8  }
.Ltmp6:
0x128: {  	v7 =	vld [tilespmem:s17+$0x12450];
	v1 =	vmov v14;
	(pc) =	sbr.rel @p1 .LBB2_11-.Ltmp6, $4  }
0x129: {  	v8 =	vld [tilespmem:s17+$0x12460]  }
0x12a: {  	v14 =	vld [tilespmem:s17+$0x12410]  }
0x12b: {  	v15 =	vld [tilespmem:s17+$0x12420]  }
0x12c: {  	s18 =	sadd.s32 $0x500, s18;
	v13 =	vld [tilespmem:s17+$0x12430]  }
0x12d: {  	_ =	sdelay $0x1  }
0x12e: {  	v16 =	vld [tilespmem:s17+$0x12440];
	v4 =	vbroadcast v4, $0x0  }
0x12f: {  	v17 =	vld [tilespmem:s17+$0x12470];
	v12 =	vadd.f32 v15, v12  }
0x130: {  	v18 =	vld [tilespmem:s17+$0x12480];
	v10 =	vadd.f32 v14, v10;
	(erf) = vrcp.f32 v4  }
0x131: {  	v4 =	vld [tilespmem:s17+$0x124B0];
	v8 =	vadd.f32 v8, v12  }
0x132: {  	v14 =	vld [tilespmem:s17+$0x124C0];
	v11 =	vadd.f32 v13, v11;
	v7 =	vadd.f32 v7, v10  }
0x133: {  	v10 =	vld [tilespmem:s17+$0x124F0];
	v9 =	vadd.f32 v16, v9;
	v6 =	vadd.f32 v6, v8  }
0x134: {  	v12 =	vld [tilespmem:s17+$0x12500];
	v11 =	vadd.f32 v17, v11;
	v5 =	vadd.f32 v5, v7  }
0x135: {  	v7 =	vadd.f32 v18, v9;
	v9 =	vld [tilespmem:s17+$0x12530];
	v3 =	vadd.f32 v3, v6  }
0x136: {  	v8 =	vld [tilespmem:s17+$0x12540];
	v4 =	vadd.f32 v4, v11;
	v2 =	vadd.f32 v2, v5  }
0x137: {  	v5 =	vadd.f32 v14, v7  }
0x138: {  	v4 =	vadd.f32 v10, v4;
	v0 =	vadd.f32 v0, v2  }
0x139: {  	v2 =	vadd.f32 v12, v5;
	v1 =	vadd.f32 v1, v3;
	v3 =	vpop (erf)  }
0x13a: {  	v4 =	vadd.f32 v9, v4;
	v0 =	vmul.f32 v0, v3  }
0x13b: {  	v2 =	vadd.f32 v8, v2;
	v1 =	vmul.f32 v1, v3  }
0x13c: {  	[tilespmem:s14+$0x7100] =	vst v0;
	v0 =	vmul.f32 v4, v3  }
0x13d: {  	[tilespmem:s14+$0x7110] =	vst v1;
	v1 =	vmul.f32 v2, v3  }
0x13e: {  	[tilespmem:s14+$0x7120] =	vst v0  }
0x13f: {  	s18 =	simm.s32 @!p0 $0x32;
	s19 =	simm.s32 @!p0 $0x12410;
	s17 =	sadd.s32 @!p0 $0x2A0, s16;
	[tilespmem:s14+$0x7130] =	vst v1  }
0x140: {  	[tilespmem:s19], [sflag:$0x5] =	stream.indirect.gather @!p0 [hbm4b:s3+s18], $0x40, s17, s18, $0xb8;
	[tilespmem:$0x15610] =	vst v63  }
0x141: {  	_ =	swait.ge [sflag:s1], $0xC80  }
0x142: {  	[sflag:s1] =	ssyncset.done $0x0  }
0x143: {  	[sflag:s1] =	ssyncadd.s32 $0xFFFFF380  }
0x144: {  	s17 =	simm.s32 $0x0;
	v4 =	vld [tilespmem:s15+$0xF005]  }
0x145: {  	v0 =	vld [tilespmem:s17+$0x13190]  }
0x146: {  	v1 =	vld [tilespmem:s17+$0x131A0]  }
0x147: {  	v2 =	vld [tilespmem:s17+$0x13150]  }
0x148: {  	v3 =	vld [tilespmem:s17+$0x13160]  }
0x149: {  	v5 =	vld [tilespmem:s17+$0x13110]  }
0x14a: {  	v6 =	vld [tilespmem:s17+$0x13120]  }
0x14b: {  	v7 =	vld [tilespmem:s17+$0x130D0]  }
0x14c: {  	v8 =	vld [tilespmem:s17+$0x130E0]  }
0x14d: {  	v14 =	vld [tilespmem:s17+$0x13090]  }
0x14e: {  	v11 =	vimm.f32 $0.0e+00;
	v15 =	vld [tilespmem:s17+$0x130A0]  }
0x14f: {  	v10 =	vimm.f32 $0.0e+00;
	v12 =	vimm.f32 $0.0e+00;
	v9 =	vimm.f32 $0.0e+00;
	s18 =	simm.s32 $0x500;
	v13 =	vld [tilespmem:s17+$0x130B0]  }
.LBB2_13:
0x150: {  	p1 =	sne.s32 s18, $0x2D00;
	v16 =	vld [tilespmem:s17+$0x130C0]  }
0x151: {  	v17 =	vld [tilespmem:s17+$0x130F0]  }
0x152: {  	v18 =	vld [tilespmem:s17+$0x13100]  }
0x153: {  	v19 =	vld [tilespmem:s17+$0x13130]  }
0x154: {  	v10 =	vadd.f32 v14, v10;
	v12 =	vadd.f32 v15, v12;
	v14 =	vld [tilespmem:s17+$0x13140]  }
0x155: {  	v11 =	vadd.f32 v13, v11;
	v9 =	vadd.f32 v16, v9;
	v13 =	vld [tilespmem:s17+$0x13170]  }
0x156: {  	v7 =	vadd.f32 v7, v10;
	v8 =	vadd.f32 v8, v12;
	v10 =	vld [tilespmem:s17+$0x13180]  }
0x157: {  	v11 =	vadd.f32 v17, v11;
	v9 =	vadd.f32 v18, v9;
	v15 =	vld [tilespmem:s17+$0x131B0]  }
0x158: {  	v5 =	vadd.f32 v5, v7;
	v6 =	vadd.f32 v6, v8;
	v7 =	vld [tilespmem:s17+$0x131C0];
	s17 =	sshra.s32 s18, $0x2  }
0x159: {  	v11 =	vadd.f32 v19, v11;
	v8 =	vld [tilespmem:s17+$0x13190];
	v9 =	vadd.f32 v14, v9  }
0x15a: {  	v5 =	vadd.f32 v2, v5;
	v6 =	vadd.f32 v3, v6;
	v14 =	vld [tilespmem:s17+$0x131A0]  }
0x15b: {  	v11 =	vadd.f32 v13, v11;
	v2 =	vld [tilespmem:s17+$0x13150];
	v9 =	vadd.f32 v10, v9  }
0x15c: {  	v10 =	vadd.f32 v0, v5;
	v12 =	vadd.f32 v1, v6;
	v3 =	vld [tilespmem:s17+$0x13160]  }
0x15d: {  	v11 =	vadd.f32 v15, v11;
	v5 =	vld [tilespmem:s17+$0x13110];
	v9 =	vadd.f32 v7, v9  }
0x15e: {  	v6 =	vld [tilespmem:s17+$0x13120];
	v0 =	vmov v8  }
.Ltmp7:
0x15f: {  	v7 =	vld [tilespmem:s17+$0x130D0];
	v1 =	vmov v14;
	(pc) =	sbr.rel @p1 .LBB2_13-.Ltmp7, $4  }
0x160: {  	v8 =	vld [tilespmem:s17+$0x130E0]  }
0x161: {  	v14 =	vld [tilespmem:s17+$0x13090]  }
0x162: {  	v15 =	vld [tilespmem:s17+$0x130A0]  }
0x163: {  	s18 =	sadd.s32 $0x500, s18;
	v13 =	vld [tilespmem:s17+$0x130B0]  }
0x164: {  	_ =	sdelay $0x1  }
0x165: {  	v16 =	vld [tilespmem:s17+$0x130C0];
	v4 =	vbroadcast v4, $0x0  }
0x166: {  	v17 =	vld [tilespmem:s17+$0x130F0];
	v12 =	vadd.f32 v15, v12  }
0x167: {  	v18 =	vld [tilespmem:s17+$0x13100];
	v10 =	vadd.f32 v14, v10;
	(erf) = vrcp.f32 v4  }
0x168: {  	v4 =	vld [tilespmem:s17+$0x13130];
	v8 =	vadd.f32 v8, v12  }
0x169: {  	v14 =	vld [tilespmem:s17+$0x13140];
	v11 =	vadd.f32 v13, v11;
	v7 =	vadd.f32 v7, v10  }
0x16a: {  	v10 =	vld [tilespmem:s17+$0x13170];
	v9 =	vadd.f32 v16, v9;
	v6 =	vadd.f32 v6, v8  }
0x16b: {  	v12 =	vld [tilespmem:s17+$0x13180];
	v11 =	vadd.f32 v17, v11;
	v5 =	vadd.f32 v5, v7  }
0x16c: {  	v7 =	vadd.f32 v18, v9;
	v9 =	vld [tilespmem:s17+$0x131B0];
	v3 =	vadd.f32 v3, v6  }
0x16d: {  	v8 =	vld [tilespmem:s17+$0x131C0];
	v4 =	vadd.f32 v4, v11;
	v2 =	vadd.f32 v2, v5  }
0x16e: {  	v5 =	vadd.f32 v14, v7  }
0x16f: {  	v4 =	vadd.f32 v10, v4;
	v0 =	vadd.f32 v0, v2  }
0x170: {  	v2 =	vadd.f32 v12, v5;
	v1 =	vadd.f32 v1, v3;
	v3 =	vpop (erf)  }
0x171: {  	v4 =	vadd.f32 v9, v4;
	v0 =	vmul.f32 v0, v3  }
0x172: {  	v2 =	vadd.f32 v8, v2;
	v1 =	vmul.f32 v1, v3  }
0x173: {  	[tilespmem:s14+$0x7140] =	vst v0;
	v0 =	vmul.f32 v4, v3  }
0x174: {  	[tilespmem:s14+$0x7150] =	vst v1;
	v1 =	vmul.f32 v2, v3  }
0x175: {  	[tilespmem:s14+$0x7160] =	vst v0  }
0x176: {  	s18 =	simm.s32 @!p0 $0x32;
	s19 =	simm.s32 @!p0 $0x13090;
	s17 =	sadd.s32 @!p0 $0x2D8, s16;
	[tilespmem:s14+$0x7170] =	vst v1  }
0x177: {  	[tilespmem:s19], [sflag:$0x6] =	stream.indirect.gather @!p0 [hbm4b:s3+s18], $0x40, s17, s18, $0xb8;
	[tilespmem:$0x15610] =	vst v63  }
0x178: {  	_ =	swait.ge [sflag:s0], $0xC80  }
0x179: {  	[sflag:s0] =	ssyncset.done $0x0  }
0x17a: {  	[sflag:s0] =	ssyncadd.s32 $0xFFFFF380  }
0x17b: {  	s17 =	simm.s32 $0x0;
	v4 =	vld [tilespmem:s15+$0xF006]  }
0x17c: {  	v0 =	vld [tilespmem:s17+$0x13E10]  }
0x17d: {  	v1 =	vld [tilespmem:s17+$0x13E20]  }
0x17e: {  	v2 =	vld [tilespmem:s17+$0x13DD0]  }
0x17f: {  	v3 =	vld [tilespmem:s17+$0x13DE0]  }
0x180: {  	v5 =	vld [tilespmem:s17+$0x13D90]  }
0x181: {  	v6 =	vld [tilespmem:s17+$0x13DA0]  }
0x182: {  	v7 =	vld [tilespmem:s17+$0x13D50]  }
0x183: {  	v8 =	vld [tilespmem:s17+$0x13D60]  }
0x184: {  	v14 =	vld [tilespmem:s17+$0x13D10]  }
0x185: {  	v11 =	vimm.f32 $0.0e+00;
	v15 =	vld [tilespmem:s17+$0x13D20]  }
0x186: {  	v10 =	vimm.f32 $0.0e+00;
	v12 =	vimm.f32 $0.0e+00;
	v9 =	vimm.f32 $0.0e+00;
	s18 =	simm.s32 $0x500;
	v13 =	vld [tilespmem:s17+$0x13D30]  }
.LBB2_15:
0x187: {  	p1 =	sne.s32 s18, $0x2D00;
	v16 =	vld [tilespmem:s17+$0x13D40]  }
0x188: {  	v17 =	vld [tilespmem:s17+$0x13D70]  }
0x189: {  	v18 =	vld [tilespmem:s17+$0x13D80]  }
0x18a: {  	v19 =	vld [tilespmem:s17+$0x13DB0]  }
0x18b: {  	v10 =	vadd.f32 v14, v10;
	v12 =	vadd.f32 v15, v12;
	v14 =	vld [tilespmem:s17+$0x13DC0]  }
0x18c: {  	v11 =	vadd.f32 v13, v11;
	v9 =	vadd.f32 v16, v9;
	v13 =	vld [tilespmem:s17+$0x13DF0]  }
0x18d: {  	v7 =	vadd.f32 v7, v10;
	v8 =	vadd.f32 v8, v12;
	v10 =	vld [tilespmem:s17+$0x13E00]  }
0x18e: {  	v11 =	vadd.f32 v17, v11;
	v9 =	vadd.f32 v18, v9;
	v15 =	vld [tilespmem:s17+$0x13E30]  }
0x18f: {  	v5 =	vadd.f32 v5, v7;
	v6 =	vadd.f32 v6, v8;
	v7 =	vld [tilespmem:s17+$0x13E40];
	s17 =	sshra.s32 s18, $0x2  }
0x190: {  	v11 =	vadd.f32 v19, v11;
	v8 =	vld [tilespmem:s17+$0x13E10];
	v9 =	vadd.f32 v14, v9  }
0x191: {  	v5 =	vadd.f32 v2, v5;
	v6 =	vadd.f32 v3, v6;
	v14 =	vld [tilespmem:s17+$0x13E20]  }
0x192: {  	v11 =	vadd.f32 v13, v11;
	v2 =	vld [tilespmem:s17+$0x13DD0];
	v9 =	vadd.f32 v10, v9  }
0x193: {  	v10 =	vadd.f32 v0, v5;
	v12 =	vadd.f32 v1, v6;
	v3 =	vld [tilespmem:s17+$0x13DE0]  }
0x194: {  	v11 =	vadd.f32 v15, v11;
	v5 =	vld [tilespmem:s17+$0x13D90];
	v9 =	vadd.f32 v7, v9  }
0x195: {  	v6 =	vld [tilespmem:s17+$0x13DA0];
	v0 =	vmov v8  }
.Ltmp8:
0x196: {  	v7 =	vld [tilespmem:s17+$0x13D50];
	v1 =	vmov v14;
	(pc) =	sbr.rel @p1 .LBB2_15-.Ltmp8, $4  }
0x197: {  	v8 =	vld [tilespmem:s17+$0x13D60]  }
0x198: {  	v14 =	vld [tilespmem:s17+$0x13D10]  }
0x199: {  	v15 =	vld [tilespmem:s17+$0x13D20]  }
0x19a: {  	s18 =	sadd.s32 $0x500, s18;
	v13 =	vld [tilespmem:s17+$0x13D30]  }
0x19b: {  	_ =	sdelay $0x1  }
0x19c: {  	v16 =	vld [tilespmem:s17+$0x13D40];
	v4 =	vbroadcast v4, $0x0  }
0x19d: {  	v17 =	vld [tilespmem:s17+$0x13D70];
	v12 =	vadd.f32 v15, v12  }
0x19e: {  	v18 =	vld [tilespmem:s17+$0x13D80];
	v10 =	vadd.f32 v14, v10;
	(erf) = vrcp.f32 v4  }
0x19f: {  	v4 =	vld [tilespmem:s17+$0x13DB0];
	v8 =	vadd.f32 v8, v12  }
0x1a0: {  	v14 =	vld [tilespmem:s17+$0x13DC0];
	v11 =	vadd.f32 v13, v11;
	v7 =	vadd.f32 v7, v10  }
0x1a1: {  	v10 =	vld [tilespmem:s17+$0x13DF0];
	v9 =	vadd.f32 v16, v9;
	v6 =	vadd.f32 v6, v8  }
0x1a2: {  	v12 =	vld [tilespmem:s17+$0x13E00];
	v11 =	vadd.f32 v17, v11;
	v5 =	vadd.f32 v5, v7  }
0x1a3: {  	v7 =	vadd.f32 v18, v9;
	v9 =	vld [tilespmem:s17+$0x13E30];
	v3 =	vadd.f32 v3, v6  }
0x1a4: {  	v8 =	vld [tilespmem:s17+$0x13E40];
	v4 =	vadd.f32 v4, v11;
	v2 =	vadd.f32 v2, v5  }
0x1a5: {  	v5 =	vadd.f32 v14, v7  }
0x1a6: {  	v4 =	vadd.f32 v10, v4;
	v0 =	vadd.f32 v0, v2  }
0x1a7: {  	v2 =	vadd.f32 v12, v5;
	v1 =	vadd.f32 v1, v3;
	v3 =	vpop (erf)  }
0x1a8: {  	v4 =	vadd.f32 v9, v4;
	v0 =	vmul.f32 v0, v3  }
0x1a9: {  	v2 =	vadd.f32 v8, v2;
	v1 =	vmul.f32 v1, v3  }
0x1aa: {  	[tilespmem:s14+$0x7180] =	vst v0;
	v0 =	vmul.f32 v4, v3  }
0x1ab: {  	[tilespmem:s14+$0x7190] =	vst v1;
	v1 =	vmul.f32 v2, v3  }
0x1ac: {  	[tilespmem:s14+$0x71A0] =	vst v0  }
0x1ad: {  	s16 =	sadd.s32 @!p0 $0x310, s16;
	s18 =	simm.s32 @!p0 $0x13D10;
	s17 =	simm.s32 @!p0 $0x32;
	[tilespmem:s14+$0x71B0] =	vst v1  }
0x1ae: {  	[tilespmem:s18], [sflag:$0x7] =	stream.indirect.gather @!p0 [hbm4b:s3+s17], $0x40, s16, s17, $0xb8;
	[tilespmem:$0x15610] =	vst v63  }
0x1af: {  	_ =	swait.ge [sflag:s9], $0xC80  }
0x1b0: {  	[sflag:s9] =	ssyncset.done $0x0  }
0x1b1: {  	[sflag:s9] =	ssyncadd.s32 $0xFFFFF380  }
0x1b2: {  	v4 =	vld [tilespmem:s15+$0xF007];
	s15 =	simm.s32 $0x0  }
0x1b3: {  	v0 =	vld [tilespmem:s15+$0x14A90]  }
0x1b4: {  	v1 =	vld [tilespmem:s15+$0x14AA0]  }
0x1b5: {  	v2 =	vld [tilespmem:s15+$0x14A50]  }
0x1b6: {  	v3 =	vld [tilespmem:s15+$0x14A60]  }
0x1b7: {  	v5 =	vld [tilespmem:s15+$0x14A10]  }
0x1b8: {  	v6 =	vld [tilespmem:s15+$0x14A20]  }
0x1b9: {  	v7 =	vld [tilespmem:s15+$0x149D0]  }
0x1ba: {  	v8 =	vld [tilespmem:s15+$0x149E0]  }
0x1bb: {  	v14 =	vld [tilespmem:s15+$0x14990]  }
0x1bc: {  	v11 =	vimm.f32 $0.0e+00;
	v15 =	vld [tilespmem:s15+$0x149A0]  }
0x1bd: {  	v10 =	vimm.f32 $0.0e+00;
	v12 =	vimm.f32 $0.0e+00;
	v9 =	vimm.f32 $0.0e+00;
	s16 =	simm.s32 $0x500;
	v13 =	vld [tilespmem:s15+$0x149B0]  }
.LBB2_17:
0x1be: {  	p1 =	sne.s32 s16, $0x2D00;
	v16 =	vld [tilespmem:s15+$0x149C0]  }
0x1bf: {  	v17 =	vld [tilespmem:s15+$0x149F0]  }
0x1c0: {  	v18 =	vld [tilespmem:s15+$0x14A00]  }
0x1c1: {  	v19 =	vld [tilespmem:s15+$0x14A30]  }
0x1c2: {  	v10 =	vadd.f32 v14, v10;
	v12 =	vadd.f32 v15, v12;
	v14 =	vld [tilespmem:s15+$0x14A40]  }
0x1c3: {  	v11 =	vadd.f32 v13, v11;
	v9 =	vadd.f32 v16, v9;
	v13 =	vld [tilespmem:s15+$0x14A70]  }
0x1c4: {  	v7 =	vadd.f32 v7, v10;
	v8 =	vadd.f32 v8, v12;
	v10 =	vld [tilespmem:s15+$0x14A80]  }
0x1c5: {  	v11 =	vadd.f32 v17, v11;
	v9 =	vadd.f32 v18, v9;
	v15 =	vld [tilespmem:s15+$0x14AB0]  }
0x1c6: {  	v5 =	vadd.f32 v5, v7;
	v6 =	vadd.f32 v6, v8;
	v7 =	vld [tilespmem:s15+$0x14AC0];
	s15 =	sshra.s32 s16, $0x2  }
0x1c7: {  	v11 =	vadd.f32 v19, v11;
	v8 =	vld [tilespmem:s15+$0x14A90];
	v9 =	vadd.f32 v14, v9  }
0x1c8: {  	v5 =	vadd.f32 v2, v5;
	v6 =	vadd.f32 v3, v6;
	v14 =	vld [tilespmem:s15+$0x14AA0]  }
0x1c9: {  	v11 =	vadd.f32 v13, v11;
	v2 =	vld [tilespmem:s15+$0x14A50];
	v9 =	vadd.f32 v10, v9  }
0x1ca: {  	v10 =	vadd.f32 v0, v5;
	v12 =	vadd.f32 v1, v6;
	v3 =	vld [tilespmem:s15+$0x14A60]  }
0x1cb: {  	v11 =	vadd.f32 v15, v11;
	v5 =	vld [tilespmem:s15+$0x14A10];
	v9 =	vadd.f32 v7, v9  }
0x1cc: {  	v6 =	vld [tilespmem:s15+$0x14A20];
	v0 =	vmov v8  }
.Ltmp9:
0x1cd: {  	v7 =	vld [tilespmem:s15+$0x149D0];
	v1 =	vmov v14;
	(pc) =	sbr.rel @p1 .LBB2_17-.Ltmp9, $4  }
0x1ce: {  	v8 =	vld [tilespmem:s15+$0x149E0]  }
0x1cf: {  	v14 =	vld [tilespmem:s15+$0x14990]  }
0x1d0: {  	v15 =	vld [tilespmem:s15+$0x149A0]  }
0x1d1: {  	s16 =	sadd.s32 $0x500, s16;
	v13 =	vld [tilespmem:s15+$0x149B0]  }
0x1d2: {  	v16 =	vld [tilespmem:s15+$0x149C0];
	v4 =	vbroadcast v4, $0x0  }
0x1d3: {  	v17 =	vld [tilespmem:s15+$0x149F0]  }
0x1d4: {  	v18 =	vld [tilespmem:s15+$0x14A00];
	v10 =	vadd.f32 v14, v10;
	(erf) = vrcp.f32 v4  }
0x1d5: {  	v52 =	vld [tilespmem:s15+$0x14A30];
	v12 =	vadd.f32 v15, v12  }
0x1d6: {  	v53 =	vld [tilespmem:s15+$0x14A40];
	v11 =	vadd.f32 v13, v11;
	v7 =	vadd.f32 v7, v10  }
0x1d7: {  	v54 =	vld [tilespmem:s15+$0x14A70];
	v9 =	vadd.f32 v16, v9;
	v8 =	vadd.f32 v8, v12  }
0x1d8: {  	v55 =	vld [tilespmem:s15+$0x14A80];
	v11 =	vadd.f32 v17, v11;
	v5 =	vadd.f32 v5, v7  }
0x1d9: {  	v57 =	vld [tilespmem:s15+$0x14AB0];
	v56 =	vadd.f32 v18, v9;
	v6 =	vadd.f32 v6, v8  }
0x1da: {  	v58 =	vld [tilespmem:s15+$0x14AC0];
	v4 =	vadd.f32 v52, v11;
	v2 =	vadd.f32 v2, v5  }
0x1db: {  	v59 =	vadd.f32 v53, v56;
	v3 =	vadd.f32 v3, v6  }
0x1dc: {  	v4 =	vadd.f32 v54, v4;
	v0 =	vadd.f32 v0, v2  }
0x1dd: {  	v60 =	vadd.f32 v55, v59;
	v1 =	vadd.f32 v1, v3;
	v61 =	vpop (erf)  }
0x1de: {  	v4 =	vadd.f32 v57, v4;
	v0 =	vmul.f32 v0, v61  }
.Ltmp10:
0x1df: {  	v2 =	vadd.f32 v58, v60;
	v1 =	vmul.f32 v1, v61;
	(pc) =	sbr.rel @p0 .LBB2_20-.Ltmp10, $4  }
0x1e0: {  	[tilespmem:s14+$0x71C0] =	vst v0;
	v62 =	vmul.f32 v4, v61  }
0x1e1: {  	[tilespmem:s14+$0x71D0] =	vst v1;
	v63 =	vmul.f32 v2, v61  }
0x1e2: {  	[tilespmem:s14+$0x71E0] =	vst v62  }
0x1e3: {  	[tilespmem:s14+$0x71F0] =	vst v63  }
0x1e4: {  	s14 =	smul.u32 $0x700, s13  }
.Ltmp11:
0x1e5: {  	_ = 	snop;
	(pc) =	sbr.rel .LBB2_2-.Ltmp11, $4  }
0x1e6: {  	_ = 	snop  }
0x1e7: {  	s14 =	sshra.s32 s14, $0x2  }
0x1e8: {  	s13 =	sadd.s32 $0x1, s13;
	s14 =	sadd.s32 $0x348, s14  }
0x1e9: {  	[tilespmem:s25], [sflag:$0x8] =	stream.indirect.gather [hbm4b:s3+s10], $0x40, s14, s10, $0xb8;
	[tilespmem:$0x15610] =	vst v63  }
.LBB2_21:
0x1ea: {  	_ =	sfence.sel $0x180000  }
0x1eb: {  	[bflag:$0x0] =	sbarrier.arrive $0xFFFF  }
0x1ec: {  	_ =	strace $0x90000047  }
0x1ed: {  	s0 =	stileid.u32;
	[bflag:$0x2] =	sbarrier.arrive $0xFFFF  }
0x1ee: {  	p0 =	sne.s32 s0, $0x0;
	s0 =	rddreg [dreg:$0x3]  }
0x1ef: {  	s0 =	sadd.s32 @!p0 $0x100000, s0  }
0x1f0: {  	[sflag:s0] =	ssyncadd.tile.s32 @!p0 $0x1;
	_ =	shalt  }
.Lfunc_end2:
_tile_overlayer_lowered:
.L_overlay_start_2:
0x1f1: {  	(tag) =	ssettag $0x2  }
0x1f2: {  	s0 =	rddreg [dreg:$0x0];
	s2 =	stileid.u32  }
0x1f3: {  	s1 =	rddreg [dreg:$0x1];
	p0 =	sne.s32 s2, $0x0  }
0x1f4: {  	s3 =	rddreg [dreg:$0x2];
	[bflag:$0x3] =	sbarrier.arrive $0xFFFF;
	s2 =	simm.s32 @!p0 $0x1C09  }
0x1f5: {  	[timem:s3], [sflag:s2] =	dma.local @!p0 [hbm:s0], s1  }
0x1f6: {  	s0 =	simm.s32 @!p0 $0x9  }
0x1f7: {  	_ =	swait.ge @!p0 [sflag:s0], s1  }
0x1f8: {  	s1 =	ssub.s32 @!p0 $0x0, s1;
	[sflag:s0] =	ssyncset.done @!p0 $0x0  }
0x1f9: {  	[sflag:s0] =	ssyncadd.s32 @!p0 s1  }
0x1fa: {  	[bflag:$0x3] =	sbarrier.arrive $0xFFFF  }
0x1fb: {  	_ =	shalt  }

</sc_bundles>
